<compile_context>
chip_gen: v7x
topology: tpu7x:2x2x1
jax: 0.10.2.dev20260603
libtpu: 0.0.44.dev20260713+nightly
codegen_flags: <defaults>
</compile_context>

<pallas_src>
import functools

import jax
import jax.numpy as jnp
from jax import lax
from jax.experimental import pallas as pl
from jax.experimental.pallas import tpu as pltpu
from jax.experimental.pallas import tpu_sc as plsc

NMPAD = 128


NBUF = 3


def _gather_kernel(n_per_w, n_chunk, num_cores, table_hbm, idx_hbm, out_hbm,
                   idx_v, *bufs):
    wid = lax.axis_index("s") * num_cores + lax.axis_index("c")
    base = wid * n_per_w
    nc = n_per_w // n_chunk
    rows = bufs[:NBUF]
    gsem = bufs[NBUF:2 * NBUF]
    ssem = bufs[2 * NBUF:]
    pltpu.sync_copy(idx_hbm.at[pl.ds(base, n_per_w)], idx_v)

    def issue_gather(c):
        buf = c % NBUF
        return pltpu.async_copy(
            table_hbm.at[idx_v.at[pl.ds(c * n_chunk, n_chunk)]],
            rows[buf], gsem[buf])

    gat = [None] * NBUF
    scat = [None] * NBUF
    for c in range(min(NBUF, nc)):
        gat[c % NBUF] = issue_gather(c)
    for c in range(nc):
        buf = c % NBUF
        gat[buf].wait()
        scat[buf] = pltpu.async_copy(
            rows[buf], out_hbm.at[pl.ds(base + c * n_chunk, n_chunk)],
            ssem[buf])
        nxt = c + NBUF
        if nxt < nc:
            scat[buf].wait()
            scat[buf] = None
            gat[buf] = issue_gather(nxt)
    for sc in scat:
        if sc is not None:
            sc.wait()


def _sc_gather(table, idx):
    n = idx.shape[0]
    d = table.shape[1]
    info = plsc.get_sparse_core_info()
    nw = info.num_cores * info.num_subcores
    n_per_w = n // nw
    n_chunk = min(32, n_per_w)
    mesh = plsc.VectorSubcoreMesh(core_axis_name="c", subcore_axis_name="s")
    kern = pl.kernel(
        functools.partial(_gather_kernel, n_per_w, n_chunk, info.num_cores),
        mesh=mesh,
        out_type=jax.ShapeDtypeStruct((n, d), jnp.float32),
        scratch_types=(
            [pltpu.VMEM((n_per_w,), jnp.int32)]
            + [pltpu.VMEM((n_chunk, d), jnp.float32) for _ in range(NBUF)]
            + [pltpu.SemaphoreType.DMA for _ in range(2 * NBUF)]
        ),
    )
    return kern(table, idx)


def _top2_routing(logits, nm):
    blk = logits.shape[0]
    col = lax.broadcasted_iota(jnp.int32, (blk, NMPAD), 1)
    neg = jnp.float32(-1e30)
    ml = jnp.where(col < nm, logits, neg)
    m1 = jnp.max(ml, axis=1, keepdims=True)
    i1 = jnp.min(jnp.where(ml >= m1, col, NMPAD), axis=1, keepdims=True)
    oh1 = col == i1
    ml2 = jnp.where(oh1, neg, ml)
    m2 = jnp.max(ml2, axis=1, keepdims=True)
    i2 = jnp.min(jnp.where(ml2 >= m2, col, NMPAD), axis=1, keepdims=True)
    oh2 = col == i2
    t = jnp.exp(m2 - m1)
    g1 = 1.0 / (1.0 + t)
    g2 = 1.0 - g1
    zero = jnp.float32(0.0)
    gate = jnp.where(oh1, g1, zero) + jnp.where(oh2, g2, zero)
    wm = jnp.where(oh1 | oh2, jnp.float32(1.0), zero)
    return gate, wm


def _mega_kernel(bq, nq, nm, h, xe_ref, wqkv_ref, wg_ref, wo_ref,
                 bo_ref, o_ref, qkvs_ref, gs_ref, wms_ref):
    t = pl.program_id(1)
    cdims = (((1,), (1,)), ((), ()))

    @pl.when(t == 0)
    def _proj():
        xe = xe_ref[0]
        xb = xe.astype(jnp.bfloat16)
        qkvs_ref[...] = jnp.dot(
            xb, wqkv_ref[...],
            preferred_element_type=jnp.float32).astype(jnp.bfloat16)
        logits = jnp.dot(xe, wg_ref[...], preferred_element_type=jnp.float32)
        gate, wm = _top2_routing(logits, nm)
        gs_ref[...] = gate.astype(jnp.bfloat16)
        wms_ref[...] = wm.astype(jnp.bfloat16)

    for ic in range(nq):
        @pl.when(t == 1 + ic)
        def _row_step(ic=ic):
            w = (ic + 1) * bq
            q = qkvs_ref[pl.ds(ic * bq, bq), :h]
            gate = gs_ref[pl.ds(ic * bq, bq), :]
            ks = qkvs_ref[pl.ds(0, w), h:2 * h]
            vs = qkvs_ref[pl.ds(0, w), 2 * h:]
            wms = wms_ref[pl.ds(0, w), :]
            s = lax.dot_general(q, ks, cdims,
                                preferred_element_type=jnp.float32)
            r = lax.dot_general(gate, wms, cdims,
                                preferred_element_type=jnp.float32)
            rows = lax.broadcasted_iota(jnp.int32, (bq, w), 0)
            cols = lax.broadcasted_iota(jnp.int32, (bq, w), 1)
            a = jnp.where(ic * bq + rows >= cols, s * r, jnp.float32(0.0))
            pa = jnp.dot(a.astype(jnp.bfloat16), vs,
                         preferred_element_type=jnp.float32)
            o_ref[0] = (jnp.dot(pa.astype(jnp.bfloat16), wo_ref[...],
                                preferred_element_type=jnp.float32)
                        + bo_ref[...])


def kernel(x, emb_table, Wq, Wk, Wv, Wg, Wo, bo):
    b, s = x.shape
    e = emb_table.shape[1]
    h = Wq.shape[1]
    nm = Wg.shape[1]
    o = Wo.shape[1]
    bq = 512
    nq = s // bq
    wgp = jnp.pad(Wg, ((0, 0), (0, NMPAD - nm)))
    kern = pl.pallas_call(
        functools.partial(_mega_kernel, bq, nq, nm, h),
        grid=(b, 1 + nq),
        in_specs=[
            pl.BlockSpec((1, s, e), lambda b_, t: (b_, 0, 0)),
            pl.BlockSpec((e, 3 * h), lambda b_, t: (0, 0)),
            pl.BlockSpec((e, NMPAD), lambda b_, t: (0, 0)),
            pl.BlockSpec((h, o), lambda b_, t: (0, 0)),
            pl.BlockSpec((1, o), lambda b_, t: (0, 0)),
        ],
        out_specs=pl.BlockSpec(
            (1, bq, o),
            lambda b_, t: (b_, jnp.where(t == 0, 0, t - 1), 0)),
        out_shape=jax.ShapeDtypeStruct((b, s, o), jnp.float32),
        scratch_shapes=[
            pltpu.VMEM((s, 3 * h), jnp.bfloat16),
            pltpu.VMEM((s, NMPAD), jnp.bfloat16),
            pltpu.VMEM((s, NMPAD), jnp.bfloat16),
        ],
    )
    idx = x.reshape(-1).astype(jnp.int32)
    xe = _sc_gather(emb_table, idx)
    wqkv = jnp.concatenate([Wq, Wk, Wv], axis=1).astype(jnp.bfloat16)
    out = kern(xe.reshape(b, s, e), wqkv, wgp,
               Wo.astype(jnp.bfloat16), bo.reshape(1, o))
    return out

# --- scband reference (transcript-rebuilt; emitter-appended) ---
"""Pipeline reference for scband-mo-mpipeline-84155589198491 (READ-ONLY COPY).

The authoritative reference and input builder live on the scoring server;
editing this copy changes nothing except your own understanding.
"""

import jax, jax.numpy as jnp
import numpy as np

V = 100000   # input_dim (vocab)
E = 1024     # embedding_dim
H = 512      # hidden_dim
O = 1024     # output_dim
NM = 8       # num_memories
TOPK = 2     # k
B = 2
S = 2048

def setup_inputs(seed: int = 0):
    key = jax.random.key(seed)
    ks = jax.random.split(key, 8)
    x = jax.random.randint(ks[0], (B, S), 0, V)
    emb_table = jax.random.normal(ks[1], (V, E), jnp.float32) * 0.02
    Wq = jax.random.normal(ks[2], (E, H), jnp.float32) * (E ** -0.5)
    Wk = jax.random.normal(ks[3], (E, H), jnp.float32) * (E ** -0.5)
    Wv = jax.random.normal(ks[4], (E, H), jnp.float32) * (E ** -0.5)
    Wg = jax.random.normal(ks[5], (E, NM), jnp.float32) * (E ** -0.5)
    Wo = jax.random.normal(ks[6], (H, O), jnp.float32) * (H ** -0.5)
    bo = jnp.zeros((O,), jnp.float32)
    return {"x": x, "emb_table": emb_table, "Wq": Wq, "Wk": Wk, "Wv": Wv, "Wg": Wg, "Wo": Wo, "bo": bo}

def reference(x, emb_table, Wq, Wk, Wv, Wg, Wo, bo):
    # 1) embedding lookup
    xe = jnp.take(emb_table, x, axis=0)  # [B, S, E]
    # 2) MoM: mixture-of-memories linear attention.
    #    Each memory m holds state M_t^{(m)} = M_0 + sum_{s<=t} wmask[s,m] * k_s^T v_s
    #    (only tokens routed to memory m write). Token t reads its top-k memories
    #    with renormalized softmax gates: o_t = sum_m gate[t,m] * q_t M_t^{(m)}.
    q = xe @ Wq
    k = xe @ Wk
    v = xe @ Wv
    logits = xe @ Wg  # [B, S, NM] router logits
    topv, topi = jax.lax.top_k(logits, TOPK)
    gw = jax.nn.softmax(topv, axis=-1)  # renormalized top-k gate weights
    oh = jax.nn.one_hot(topi, NM, dtype=xe.dtype)  # [B, S, TOPK, NM]
    gate = jnp.sum(oh * gw[..., None], axis=-2)    # [B, S, NM] read gates (0 outside top-k)
    wmask = jnp.minimum(jnp.sum(oh, axis=-2), 1.0) # [B, S, NM] write mask
    # Expand recurrence in closed form:
    # o_t = q_t M_0 + sum_{s<=t} (q_t . k_s) * (sum_m gate[t,m] wmask[s,m]) * v_s
    seq = x.shape[1]
    R = jnp.einsum('btm,bsm->bts', gate, wmask)          # routing coupling matrix
    scores = jnp.einsum('bth,bsh->bts', q, k)            # linear-attn inner products
    causal = jnp.tril(jnp.ones((seq, seq), dtype=xe.dtype))
    A = scores * causal[None, :, :] * R
    M0 = jnp.zeros((H, H), dtype=xe.dtype)               # torch forward builds M_0 = zeros
    mom_out = jnp.einsum('bts,bsh->bth', A, v) + q @ M0  # [B, S, H]
    # 3) output layer + Identity activation
    out = mom_out @ Wo + bo
    return out

if __name__ == "__main__":
    import jax
    _d = setup_inputs()
    print(jax.jit(kernel)(*tuple(_d.values())))

</pallas_src>

<mosaic_0001>
#map = affine_map<(d0, d1) -> (0, 0)>
#map1 = affine_map<(d0, d1) -> (0)>
module attributes {stable_mosaic.version = 14 : i64} {
  func.func @_gather_kernel(%arg0: i32, %arg1: i32, %arg2: memref<100000x1024xf32, #tpu.memory_space<hbm>>, %arg3: memref<4096xi32, #tpu.memory_space<hbm>>, %arg4: memref<4096x1024xf32, #tpu.memory_space<hbm>>, %arg5: memref<128xi32, #tpu.memory_space<vmem>>, %arg6: memref<32x1024xf32, #tpu.memory_space<vmem>>, %arg7: memref<32x1024xf32, #tpu.memory_space<vmem>>, %arg8: memref<32x1024xf32, #tpu.memory_space<vmem>>, %arg9: memref<!tpu.dma_semaphore, #tpu.memory_space<semaphore_mem>>, %arg10: memref<!tpu.dma_semaphore, #tpu.memory_space<semaphore_mem>>, %arg11: memref<!tpu.dma_semaphore, #tpu.memory_space<semaphore_mem>>, %arg12: memref<!tpu.dma_semaphore, #tpu.memory_space<semaphore_mem>>, %arg13: memref<!tpu.dma_semaphore, #tpu.memory_space<semaphore_mem>>, %arg14: memref<!tpu.dma_semaphore, #tpu.memory_space<semaphore_mem>>) attributes {dimension_semantics = [#tpu.dimension_semantics<core_parallel>, #tpu.dimension_semantics<subcore_parallel>], iteration_bounds = array<i64: 2, 16>, scalar_prefetch = 0 : i64, scratch_operands = 10 : i64, tpu.core_type = #tpu.core_type<sc_vector_subcore>, window_params = [{transform_indices = #map}, {transform_indices = #map1}, {transform_indices = #map}]} {
    %mul3A = arith.constant 2 : i32
    %mul3A_0 = arith.muli %arg1, %mul3A : i32
    %add3A = arith.addi %mul3A_0, %arg0 : i32
    %mul3A_1 = arith.constant 128 : i32
    %mul3A_2 = arith.muli %add3A, %mul3A_1 : i32
    "tpu.region"() ({
      %run_scoped3A = tpu.sem_alloc : memref<!tpu.dma_semaphore, #tpu.memory_space<semaphore_mem>>
      %dma_start3A_81 = tpu.memref_slice %arg3[%mul3A_2] : memref<4096xi32, #tpu.memory_space<hbm>> -> memref<128xi32, #tpu.memory_space<hbm>>
      %dma_start3A_82 = tpu.memref_slice %arg3[%mul3A_2] : memref<4096xi32, #tpu.memory_space<hbm>> -> memref<128xi32, #tpu.memory_space<hbm>>
      tpu.enqueue_dma source(%dma_start3A_82 : memref<128xi32, #tpu.memory_space<hbm>>) target(%arg5 : memref<128xi32, #tpu.memory_space<vmem>>) target_semaphore(%run_scoped3A : memref<!tpu.dma_semaphore, #tpu.memory_space<semaphore_mem>>)
      %dma_wait3A_83 = tpu.memref_slice %arg3[%mul3A_2] : memref<4096xi32, #tpu.memory_space<hbm>> -> memref<128xi32, #tpu.memory_space<hbm>>
      %dma_wait3A_84 = tpu.memref_slice %arg3[%mul3A_2] : memref<4096xi32, #tpu.memory_space<hbm>> -> memref<128xi32, #tpu.memory_space<hbm>>
      tpu.wait_dma2 semaphore(%run_scoped3A : memref<!tpu.dma_semaphore, #tpu.memory_space<semaphore_mem>>) src(%dma_wait3A_84 : memref<128xi32, #tpu.memory_space<hbm>>) dst(%arg5 : memref<128xi32, #tpu.memory_space<vmem>>)
      tpu.yield
    }) : () -> ()
    %dma_start3A = arith.constant 0 : i32
    %dma_start3A_3 = tpu.memref_slice %arg5[%dma_start3A] : memref<128xi32, #tpu.memory_space<vmem>> -> memref<32xi32, #tpu.memory_space<vmem>>
    %dma_start3A_4 = arith.constant 0 : i32
    %dma_start3A_5 = arith.constant 0 : i32
    %dma_start3A_6 = tpu.memref_slice %arg2[%dma_start3A_4, %dma_start3A_5] : memref<100000x1024xf32, #tpu.memory_space<hbm>> -> memref<100000x1024xf32, #tpu.memory_space<hbm>>
    tpu.enqueue_indirect_dma source(%dma_start3A_6 : memref<100000x1024xf32, #tpu.memory_space<hbm>>) target(%arg6 : memref<32x1024xf32, #tpu.memory_space<vmem>>) offsets(%dma_start3A_3 : memref<32xi32, #tpu.memory_space<vmem>>) semaphore(%arg9 : memref<!tpu.dma_semaphore, #tpu.memory_space<semaphore_mem>>)
    %dma_start3A_7 = arith.constant 32 : i32
    %dma_start3A_8 = tpu.memref_slice %arg5[%dma_start3A_7] : memref<128xi32, #tpu.memory_space<vmem>> -> memref<32xi32, #tpu.memory_space<vmem>>
    %dma_start3A_9 = arith.constant 0 : i32
    %dma_start3A_10 = arith.constant 0 : i32
    %dma_start3A_11 = tpu.memref_slice %arg2[%dma_start3A_9, %dma_start3A_10] : memref<100000x1024xf32, #tpu.memory_space<hbm>> -> memref<100000x1024xf32, #tpu.memory_space<hbm>>
    tpu.enqueue_indirect_dma source(%dma_start3A_11 : memref<100000x1024xf32, #tpu.memory_space<hbm>>) target(%arg7 : memref<32x1024xf32, #tpu.memory_space<vmem>>) offsets(%dma_start3A_8 : memref<32xi32, #tpu.memory_space<vmem>>) semaphore(%arg10 : memref<!tpu.dma_semaphore, #tpu.memory_space<semaphore_mem>>)
    %dma_start3A_12 = arith.constant 64 : i32
    %dma_start3A_13 = tpu.memref_slice %arg5[%dma_start3A_12] : memref<128xi32, #tpu.memory_space<vmem>> -> memref<32xi32, #tpu.memory_space<vmem>>
    %dma_start3A_14 = arith.constant 0 : i32
    %dma_start3A_15 = arith.constant 0 : i32
    %dma_start3A_16 = tpu.memref_slice %arg2[%dma_start3A_14, %dma_start3A_15] : memref<100000x1024xf32, #tpu.memory_space<hbm>> -> memref<100000x1024xf32, #tpu.memory_space<hbm>>
    tpu.enqueue_indirect_dma source(%dma_start3A_16 : memref<100000x1024xf32, #tpu.memory_space<hbm>>) target(%arg8 : memref<32x1024xf32, #tpu.memory_space<vmem>>) offsets(%dma_start3A_13 : memref<32xi32, #tpu.memory_space<vmem>>) semaphore(%arg11 : memref<!tpu.dma_semaphore, #tpu.memory_space<semaphore_mem>>)
    %dma_wait3A = arith.constant 0 : i32
    %dma_wait3A_17 = tpu.memref_slice %arg5[%dma_wait3A] : memref<128xi32, #tpu.memory_space<vmem>> -> memref<32xi32, #tpu.memory_space<vmem>>
    %dma_wait3A_18 = arith.constant 0 : i32
    %dma_wait3A_19 = arith.constant 0 : i32
    %dma_wait3A_20 = tpu.memref_slice %arg2[%dma_wait3A_18, %dma_wait3A_19] : memref<100000x1024xf32, #tpu.memory_space<hbm>> -> memref<100000x1024xf32, #tpu.memory_space<hbm>>
    tpu.wait_indirect_dma semaphore(%arg9 : memref<!tpu.dma_semaphore, #tpu.memory_space<semaphore_mem>>) src(%dma_wait3A_20 : memref<100000x1024xf32, #tpu.memory_space<hbm>>) dst(%arg6 : memref<32x1024xf32, #tpu.memory_space<vmem>>)
    %add3A_21 = arith.constant 0 : i32
    %add3A_22 = arith.addi %mul3A_2, %add3A_21 : i32
    %dma_start3A_23 = arith.constant 0 : i32
    %dma_start3A_24 = tpu.memref_slice %arg4[%add3A_22, %dma_start3A_23] : memref<4096x1024xf32, #tpu.memory_space<hbm>> -> memref<32x1024xf32, #tpu.memory_space<hbm>>
    %dma_start3A_25 = arith.constant 0 : i32
    %dma_start3A_26 = tpu.memref_slice %arg4[%add3A_22, %dma_start3A_25] : memref<4096x1024xf32, #tpu.memory_space<hbm>> -> memref<32x1024xf32, #tpu.memory_space<hbm>>
    tpu.enqueue_dma source(%arg6 : memref<32x1024xf32, #tpu.memory_space<vmem>>) target(%dma_start3A_26 : memref<32x1024xf32, #tpu.memory_space<hbm>>) target_semaphore(%arg12 : memref<!tpu.dma_semaphore, #tpu.memory_space<semaphore_mem>>)
    %dma_wait3A_27 = arith.constant 0 : i32
    %dma_wait3A_28 = tpu.memref_slice %arg4[%add3A_22, %dma_wait3A_27] : memref<4096x1024xf32, #tpu.memory_space<hbm>> -> memref<32x1024xf32, #tpu.memory_space<hbm>>
    %dma_wait3A_29 = arith.constant 0 : i32
    %dma_wait3A_30 = tpu.memref_slice %arg4[%add3A_22, %dma_wait3A_29] : memref<4096x1024xf32, #tpu.memory_space<hbm>> -> memref<32x1024xf32, #tpu.memory_space<hbm>>
    tpu.wait_dma2 semaphore(%arg12 : memref<!tpu.dma_semaphore, #tpu.memory_space<semaphore_mem>>) src(%arg6 : memref<32x1024xf32, #tpu.memory_space<vmem>>) dst(%dma_wait3A_30 : memref<32x1024xf32, #tpu.memory_space<hbm>>)
    %dma_start3A_31 = arith.constant 96 : i32
    %dma_start3A_32 = tpu.memref_slice %arg5[%dma_start3A_31] : memref<128xi32, #tpu.memory_space<vmem>> -> memref<32xi32, #tpu.memory_space<vmem>>
    %dma_start3A_33 = arith.constant 0 : i32
    %dma_start3A_34 = arith.constant 0 : i32
    %dma_start3A_35 = tpu.memref_slice %arg2[%dma_start3A_33, %dma_start3A_34] : memref<100000x1024xf32, #tpu.memory_space<hbm>> -> memref<100000x1024xf32, #tpu.memory_space<hbm>>
    tpu.enqueue_indirect_dma source(%dma_start3A_35 : memref<100000x1024xf32, #tpu.memory_space<hbm>>) target(%arg6 : memref<32x1024xf32, #tpu.memory_space<vmem>>) offsets(%dma_start3A_32 : memref<32xi32, #tpu.memory_space<vmem>>) semaphore(%arg9 : memref<!tpu.dma_semaphore, #tpu.memory_space<semaphore_mem>>)
    %dma_wait3A_36 = arith.constant 32 : i32
    %dma_wait3A_37 = tpu.memref_slice %arg5[%dma_wait3A_36] : memref<128xi32, #tpu.memory_space<vmem>> -> memref<32xi32, #tpu.memory_space<vmem>>
    %dma_wait3A_38 = arith.constant 0 : i32
    %dma_wait3A_39 = arith.constant 0 : i32
    %dma_wait3A_40 = tpu.memref_slice %arg2[%dma_wait3A_38, %dma_wait3A_39] : memref<100000x1024xf32, #tpu.memory_space<hbm>> -> memref<100000x1024xf32, #tpu.memory_space<hbm>>
    tpu.wait_indirect_dma semaphore(%arg10 : memref<!tpu.dma_semaphore, #tpu.memory_space<semaphore_mem>>) src(%dma_wait3A_40 : memref<100000x1024xf32, #tpu.memory_space<hbm>>) dst(%arg7 : memref<32x1024xf32, #tpu.memory_space<vmem>>)
    %add3A_41 = arith.constant 32 : i32
    %add3A_42 = arith.addi %mul3A_2, %add3A_41 : i32
    %dma_start3A_43 = arith.constant 0 : i32
    %dma_start3A_44 = tpu.memref_slice %arg4[%add3A_42, %dma_start3A_43] : memref<4096x1024xf32, #tpu.memory_space<hbm>> -> memref<32x1024xf32, #tpu.memory_space<hbm>>
    %dma_start3A_45 = arith.constant 0 : i32
    %dma_start3A_46 = tpu.memref_slice %arg4[%add3A_42, %dma_start3A_45] : memref<4096x1024xf32, #tpu.memory_space<hbm>> -> memref<32x1024xf32, #tpu.memory_space<hbm>>
    tpu.enqueue_dma source(%arg7 : memref<32x1024xf32, #tpu.memory_space<vmem>>) target(%dma_start3A_46 : memref<32x1024xf32, #tpu.memory_space<hbm>>) target_semaphore(%arg13 : memref<!tpu.dma_semaphore, #tpu.memory_space<semaphore_mem>>)
    %dma_wait3A_47 = arith.constant 64 : i32
    %dma_wait3A_48 = tpu.memref_slice %arg5[%dma_wait3A_47] : memref<128xi32, #tpu.memory_space<vmem>> -> memref<32xi32, #tpu.memory_space<vmem>>
    %dma_wait3A_49 = arith.constant 0 : i32
    %dma_wait3A_50 = arith.constant 0 : i32
    %dma_wait3A_51 = tpu.memref_slice %arg2[%dma_wait3A_49, %dma_wait3A_50] : memref<100000x1024xf32, #tpu.memory_space<hbm>> -> memref<100000x1024xf32, #tpu.memory_space<hbm>>
    tpu.wait_indirect_dma semaphore(%arg11 : memref<!tpu.dma_semaphore, #tpu.memory_space<semaphore_mem>>) src(%dma_wait3A_51 : memref<100000x1024xf32, #tpu.memory_space<hbm>>) dst(%arg8 : memref<32x1024xf32, #tpu.memory_space<vmem>>)
    %add3A_52 = arith.constant 64 : i32
    %add3A_53 = arith.addi %mul3A_2, %add3A_52 : i32
    %dma_start3A_54 = arith.constant 0 : i32
    %dma_start3A_55 = tpu.memref_slice %arg4[%add3A_53, %dma_start3A_54] : memref<4096x1024xf32, #tpu.memory_space<hbm>> -> memref<32x1024xf32, #tpu.memory_space<hbm>>
    %dma_start3A_56 = arith.constant 0 : i32
    %dma_start3A_57 = tpu.memref_slice %arg4[%add3A_53, %dma_start3A_56] : memref<4096x1024xf32, #tpu.memory_space<hbm>> -> memref<32x1024xf32, #tpu.memory_space<hbm>>
    tpu.enqueue_dma source(%arg8 : memref<32x1024xf32, #tpu.memory_space<vmem>>) target(%dma_start3A_57 : memref<32x1024xf32, #tpu.memory_space<hbm>>) target_semaphore(%arg14 : memref<!tpu.dma_semaphore, #tpu.memory_space<semaphore_mem>>)
    %dma_wait3A_58 = arith.constant 96 : i32
    %dma_wait3A_59 = tpu.memref_slice %arg5[%dma_wait3A_58] : memref<128xi32, #tpu.memory_space<vmem>> -> memref<32xi32, #tpu.memory_space<vmem>>
    %dma_wait3A_60 = arith.constant 0 : i32
    %dma_wait3A_61 = arith.constant 0 : i32
    %dma_wait3A_62 = tpu.memref_slice %arg2[%dma_wait3A_60, %dma_wait3A_61] : memref<100000x1024xf32, #tpu.memory_space<hbm>> -> memref<100000x1024xf32, #tpu.memory_space<hbm>>
    tpu.wait_indirect_dma semaphore(%arg9 : memref<!tpu.dma_semaphore, #tpu.memory_space<semaphore_mem>>) src(%dma_wait3A_62 : memref<100000x1024xf32, #tpu.memory_space<hbm>>) dst(%arg6 : memref<32x1024xf32, #tpu.memory_space<vmem>>)
    %add3A_63 = arith.constant 96 : i32
    %add3A_64 = arith.addi %mul3A_2, %add3A_63 : i32
    %dma_start3A_65 = arith.constant 0 : i32
    %dma_start3A_66 = tpu.memref_slice %arg4[%add3A_64, %dma_start3A_65] : memref<4096x1024xf32, #tpu.memory_space<hbm>> -> memref<32x1024xf32, #tpu.memory_space<hbm>>
    %dma_start3A_67 = arith.constant 0 : i32
    %dma_start3A_68 = tpu.memref_slice %arg4[%add3A_64, %dma_start3A_67] : memref<4096x1024xf32, #tpu.memory_space<hbm>> -> memref<32x1024xf32, #tpu.memory_space<hbm>>
    tpu.enqueue_dma source(%arg6 : memref<32x1024xf32, #tpu.memory_space<vmem>>) target(%dma_start3A_68 : memref<32x1024xf32, #tpu.memory_space<hbm>>) target_semaphore(%arg12 : memref<!tpu.dma_semaphore, #tpu.memory_space<semaphore_mem>>)
    %dma_wait3A_69 = arith.constant 0 : i32
    %dma_wait3A_70 = tpu.memref_slice %arg4[%add3A_64, %dma_wait3A_69] : memref<4096x1024xf32, #tpu.memory_space<hbm>> -> memref<32x1024xf32, #tpu.memory_space<hbm>>
    %dma_wait3A_71 = arith.constant 0 : i32
    %dma_wait3A_72 = tpu.memref_slice %arg4[%add3A_64, %dma_wait3A_71] : memref<4096x1024xf32, #tpu.memory_space<hbm>> -> memref<32x1024xf32, #tpu.memory_space<hbm>>
    tpu.wait_dma2 semaphore(%arg12 : memref<!tpu.dma_semaphore, #tpu.memory_space<semaphore_mem>>) src(%arg6 : memref<32x1024xf32, #tpu.memory_space<vmem>>) dst(%dma_wait3A_72 : memref<32x1024xf32, #tpu.memory_space<hbm>>)
    %dma_wait3A_73 = arith.constant 0 : i32
    %dma_wait3A_74 = tpu.memref_slice %arg4[%add3A_42, %dma_wait3A_73] : memref<4096x1024xf32, #tpu.memory_space<hbm>> -> memref<32x1024xf32, #tpu.memory_space<hbm>>
    %dma_wait3A_75 = arith.constant 0 : i32
    %dma_wait3A_76 = tpu.memref_slice %arg4[%add3A_42, %dma_wait3A_75] : memref<4096x1024xf32, #tpu.memory_space<hbm>> -> memref<32x1024xf32, #tpu.memory_space<hbm>>
    tpu.wait_dma2 semaphore(%arg13 : memref<!tpu.dma_semaphore, #tpu.memory_space<semaphore_mem>>) src(%arg7 : memref<32x1024xf32, #tpu.memory_space<vmem>>) dst(%dma_wait3A_76 : memref<32x1024xf32, #tpu.memory_space<hbm>>)
    %dma_wait3A_77 = arith.constant 0 : i32
    %dma_wait3A_78 = tpu.memref_slice %arg4[%add3A_53, %dma_wait3A_77] : memref<4096x1024xf32, #tpu.memory_space<hbm>> -> memref<32x1024xf32, #tpu.memory_space<hbm>>
    %dma_wait3A_79 = arith.constant 0 : i32
    %dma_wait3A_80 = tpu.memref_slice %arg4[%add3A_53, %dma_wait3A_79] : memref<4096x1024xf32, #tpu.memory_space<hbm>> -> memref<32x1024xf32, #tpu.memory_space<hbm>>
    tpu.wait_dma2 semaphore(%arg14 : memref<!tpu.dma_semaphore, #tpu.memory_space<semaphore_mem>>) src(%arg8 : memref<32x1024xf32, #tpu.memory_space<vmem>>) dst(%dma_wait3A_80 : memref<32x1024xf32, #tpu.memory_space<hbm>>)
    return
  }
}

module attributes {stable_mosaic.version = 14 : i64} {
  func.func @_mega_kernel(%arg0: i32, %arg1: i32, %arg2: memref<1x2048x1024xf32, #tpu.memory_space<vmem>>, %arg3: memref<1024x1536xbf16, #tpu.memory_space<vmem>>, %arg4: memref<1024x128xf32, #tpu.memory_space<vmem>>, %arg5: memref<512x1024xbf16, #tpu.memory_space<vmem>>, %arg6: memref<1x1024xf32, #tpu.memory_space<vmem>>, %arg7: memref<1x512x1024xf32, #tpu.memory_space<vmem>>, %arg8: memref<2048x1536xbf16, #tpu.memory_space<vmem>>, %arg9: memref<2048x128xbf16, #tpu.memory_space<vmem>>, %arg10: memref<2048x128xbf16, #tpu.memory_space<vmem>>) attributes {dimension_semantics = [#tpu.dimension_semantics<arbitrary>, #tpu.dimension_semantics<arbitrary>], iteration_bounds = array<i64: 2, 5>, scalar_prefetch = 0 : i64, scratch_operands = 3 : i64, tpu.core_type = #tpu.core_type<tc>, window_params = [{transform_indices = @transform_0, window_bounds = array<i64: 1, 2048, 1024>}, {pipeline_mode = #tpu.pipeline_mode<synchronous>, transform_indices = @transform_1, window_bounds = array<i64: 1024, 1536>}, {pipeline_mode = #tpu.pipeline_mode<synchronous>, transform_indices = @transform_2, window_bounds = array<i64: 1024, 128>}, {pipeline_mode = #tpu.pipeline_mode<synchronous>, transform_indices = @transform_3, window_bounds = array<i64: 512, 1024>}, {pipeline_mode = #tpu.pipeline_mode<synchronous>, transform_indices = @transform_4, window_bounds = array<i64: 1, 1024>}, {transform_indices = @transform_5, window_bounds = array<i64: 1, 512, 1024>}]} {
    %eq3A = arith.constant 0 : i32
    %eq3A_0 = arith.cmpi eq, %arg1, %eq3A : i32
    %convert_element_type3A = arith.extui %eq3A_0 : i1 to i32
    %cond3A = arith.constant 0 : i32
    %cond3A_1 = arith.cmpi ne, %convert_element_type3A, %cond3A : i32
    scf.if %cond3A_1 {
      %get3A = arith.constant 0 : index
      %get3A_22 = arith.constant 0 : index
      %get3A_23 = arith.constant 0 : index
      %get3A_24 = vector.load %arg2[%get3A, %get3A_22, %get3A_23] : memref<1x2048x1024xf32, #tpu.memory_space<vmem>>, vector<1x2048x1024xf32>
      %get3A_25 = vector.shape_cast %get3A_24 : vector<1x2048x1024xf32> to vector<2048x1024xf32>
      %convert_element_type3A_26 = arith.truncf %get3A_25 : vector<2048x1024xf32> to vector<2048x1024xbf16>
      %get3A_27 = arith.constant 0 : index
      %get3A_28 = arith.constant 0 : index
      %get3A_29 = vector.load %arg3[%get3A_27, %get3A_28] : memref<1024x1536xbf16, #tpu.memory_space<vmem>>, vector<1024x1536xbf16>
      %dot_general3A = arith.constant dense<0.000000e+00> : vector<2048x1536xf32>
      %dot_general3A_30 = tpu.matmul %convert_element_type3A_26, %get3A_29, %dot_general3A {dimension_numbers = #tpu.dot_dimension_numbers<[1], [0], [0], [1], [0, 0, 1, 1], [], []>, transpose_lhs_hint = false} : vector<2048x1024xbf16>, vector<1024x1536xbf16>, vector<2048x1536xf32> -> vector<2048x1536xf32>
      %convert_element_type3A_31 = arith.truncf %dot_general3A_30 : vector<2048x1536xf32> to vector<2048x1536xbf16>
      %swap3A = arith.constant 0 : index
      %swap3A_32 = arith.constant 0 : index
      %swap3A_33 = vector.load %arg8[%swap3A, %swap3A_32] : memref<2048x1536xbf16, #tpu.memory_space<vmem>>, vector<2048x1536xbf16>
      tpu.vector_store %arg8[%swap3A, %swap3A_32], %convert_element_type3A_31 {strides = array<i32>} : memref<2048x1536xbf16, #tpu.memory_space<vmem>>, vector<2048x1536xbf16>,
      %get3A_34 = arith.constant 0 : index
      %get3A_35 = arith.constant 0 : index
      %get3A_36 = vector.load %arg4[%get3A_34, %get3A_35] : memref<1024x128xf32, #tpu.memory_space<vmem>>, vector<1024x128xf32>
      %dot_general3A_37 = arith.constant dense<0.000000e+00> : vector<2048x128xf32>
      %dot_general3A_38 = tpu.matmul %get3A_25, %get3A_36, %dot_general3A_37 {dimension_numbers = #tpu.dot_dimension_numbers<[1], [0], [0], [1], [0, 0, 1, 1], [], []>, transpose_lhs_hint = false} : vector<2048x1024xf32>, vector<1024x128xf32>, vector<2048x128xf32> -> vector<2048x128xf32>
      %iota3A = tpu.iota {dimensions = array<i32: 1>} : vector<2048x128xi32>
      %lt3A = arith.constant 8 : i32
      %lt3A_39 = vector.broadcast %lt3A : i32 to vector<2048x128xi32>
      %lt3A_40 = arith.cmpi slt, %iota3A, %lt3A_39 : vector<2048x128xi32>
      %jit3A = arith.constant -1.000000e+30 : f32
      %broadcast_in_dim3A = vector.broadcast %jit3A : f32 to vector<2048x128xf32>
      %select_n3A = arith.select %lt3A_40, %dot_general3A_38, %broadcast_in_dim3A : vector<2048x128xi1>, vector<2048x128xf32>
      %reduce_max3A = arith.constant dense<0xFF800000> : vector<2048xf32>
      %reduce_max3A_41 = vector.multi_reduction <maximumf>, %select_n3A, %reduce_max3A [1] : vector<2048x128xf32> to vector<2048xf32>
      %broadcast_in_dim3A_42 = vector.shape_cast %reduce_max3A_41 : vector<2048xf32> to vector<2048x1xf32>
      %ge3A = vector.broadcast %broadcast_in_dim3A_42 : vector<2048x1xf32> to vector<2048x128xf32>
      %ge3A_43 = arith.cmpf oge, %select_n3A, %ge3A : vector<2048x128xf32>
      %jit3A_44 = arith.constant 128 : i32
      %broadcast_in_dim3A_45 = vector.broadcast %jit3A_44 : i32 to vector<2048x128xi32>
      %select_n3A_46 = arith.select %ge3A_43, %iota3A, %broadcast_in_dim3A_45 : vector<2048x128xi1>, vector<2048x128xi32>
      %reduce_min3A = arith.constant dense<2147483647> : vector<2048xi32>
      %reduce_min3A_47 = vector.multi_reduction <minsi>, %select_n3A_46, %reduce_min3A [1] : vector<2048x128xi32> to vector<2048xi32>
      %broadcast_in_dim3A_48 = vector.shape_cast %reduce_min3A_47 : vector<2048xi32> to vector<2048x1xi32>
      %eq3A_49 = vector.broadcast %broadcast_in_dim3A_48 : vector<2048x1xi32> to vector<2048x128xi32>
      %eq3A_50 = arith.cmpi eq, %iota3A, %eq3A_49 : vector<2048x128xi32>
      %jit3A_51 = arith.constant -1.000000e+30 : f32
      %broadcast_in_dim3A_52 = vector.broadcast %jit3A_51 : f32 to vector<2048x128xf32>
      %select_n3A_53 = arith.select %eq3A_50, %broadcast_in_dim3A_52, %select_n3A : vector<2048x128xi1>, vector<2048x128xf32>
      %reduce_max3A_54 = arith.constant dense<0xFF800000> : vector<2048xf32>
      %reduce_max3A_55 = vector.multi_reduction <maximumf>, %select_n3A_53, %reduce_max3A_54 [1] : vector<2048x128xf32> to vector<2048xf32>
      %broadcast_in_dim3A_56 = vector.shape_cast %reduce_max3A_55 : vector<2048xf32> to vector<2048x1xf32>
      %ge3A_57 = vector.broadcast %broadcast_in_dim3A_56 : vector<2048x1xf32> to vector<2048x128xf32>
      %ge3A_58 = arith.cmpf oge, %select_n3A_53, %ge3A_57 : vector<2048x128xf32>
      %jit3A_59 = arith.constant 128 : i32
      %broadcast_in_dim3A_60 = vector.broadcast %jit3A_59 : i32 to vector<2048x128xi32>
      %select_n3A_61 = arith.select %ge3A_58, %iota3A, %broadcast_in_dim3A_60 : vector<2048x128xi1>, vector<2048x128xi32>
      %reduce_min3A_62 = arith.constant dense<2147483647> : vector<2048xi32>
      %reduce_min3A_63 = vector.multi_reduction <minsi>, %select_n3A_61, %reduce_min3A_62 [1] : vector<2048x128xi32> to vector<2048xi32>
      %broadcast_in_dim3A_64 = vector.shape_cast %reduce_min3A_63 : vector<2048xi32> to vector<2048x1xi32>
      %eq3A_65 = vector.broadcast %broadcast_in_dim3A_64 : vector<2048x1xi32> to vector<2048x128xi32>
      %eq3A_66 = arith.cmpi eq, %iota3A, %eq3A_65 : vector<2048x128xi32>
      %sub3A = arith.subf %broadcast_in_dim3A_56, %broadcast_in_dim3A_42 : vector<2048x1xf32>
      %exp3A = math.exp %sub3A : vector<2048x1xf32>
      %add3A = arith.constant 1.000000e+00 : f32
      %add3A_67 = vector.broadcast %add3A : f32 to vector<2048x1xf32>
      %add3A_68 = arith.addf %add3A_67, %exp3A : vector<2048x1xf32>
      %div3A = arith.constant 1.000000e+00 : f32
      %div3A_69 = vector.broadcast %div3A : f32 to vector<2048x1xf32>
      %div3A_70 = arith.divf %div3A_69, %add3A_68 : vector<2048x1xf32>
      %sub3A_71 = arith.constant 1.000000e+00 : f32
      %sub3A_72 = vector.broadcast %sub3A_71 : f32 to vector<2048x1xf32>
      %sub3A_73 = arith.subf %sub3A_72, %div3A_70 : vector<2048x1xf32>
      %jit3A_74 = arith.constant 0.000000e+00 : f32
      %broadcast_in_dim3A_75 = vector.shape_cast %div3A_70 : vector<2048x1xf32> to vector<2048x1xf32>
      %broadcast_in_dim3A_76 = vector.broadcast %broadcast_in_dim3A_75 : vector<2048x1xf32> to vector<2048x128xf32>
      %broadcast_in_dim3A_77 = vector.broadcast %jit3A_74 : f32 to vector<2048x128xf32>
      %select_n3A_78 = arith.select %eq3A_50, %broadcast_in_dim3A_76, %broadcast_in_dim3A_77 : vector<2048x128xi1>, vector<2048x128xf32>
      %jit3A_79 = arith.constant 0.000000e+00 : f32
      %broadcast_in_dim3A_80 = vector.shape_cast %sub3A_73 : vector<2048x1xf32> to vector<2048x1xf32>
      %broadcast_in_dim3A_81 = vector.broadcast %broadcast_in_dim3A_80 : vector<2048x1xf32> to vector<2048x128xf32>
      %broadcast_in_dim3A_82 = vector.broadcast %jit3A_79 : f32 to vector<2048x128xf32>
      %select_n3A_83 = arith.select %eq3A_66, %broadcast_in_dim3A_81, %broadcast_in_dim3A_82 : vector<2048x128xi1>, vector<2048x128xf32>
      %add3A_84 = arith.addf %select_n3A_78, %select_n3A_83 : vector<2048x128xf32>
      %or3A = arith.ori %eq3A_50, %eq3A_66 : vector<2048x128xi1>
      %jit3A_85 = arith.constant 1.000000e+00 : f32
      %jit3A_86 = arith.constant 0.000000e+00 : f32
      %broadcast_in_dim3A_87 = vector.broadcast %jit3A_85 : f32 to vector<2048x128xf32>
      %broadcast_in_dim3A_88 = vector.broadcast %jit3A_86 : f32 to vector<2048x128xf32>
      %select_n3A_89 = arith.select %or3A, %broadcast_in_dim3A_87, %broadcast_in_dim3A_88 : vector<2048x128xi1>, vector<2048x128xf32>
      %convert_element_type3A_90 = arith.truncf %add3A_84 : vector<2048x128xf32> to vector<2048x128xbf16>
      %swap3A_91 = arith.constant 0 : index
      %swap3A_92 = arith.constant 0 : index
      %swap3A_93 = vector.load %arg9[%swap3A_91, %swap3A_92] : memref<2048x128xbf16, #tpu.memory_space<vmem>>, vector<2048x128xbf16>
      tpu.vector_store %arg9[%swap3A_91, %swap3A_92], %convert_element_type3A_90 {strides = array<i32>} : memref<2048x128xbf16, #tpu.memory_space<vmem>>, vector<2048x128xbf16>,
      %convert_element_type3A_94 = arith.truncf %select_n3A_89 : vector<2048x128xf32> to vector<2048x128xbf16>
      %swap3A_95 = arith.constant 0 : index
      %swap3A_96 = arith.constant 0 : index
      %swap3A_97 = vector.load %arg10[%swap3A_95, %swap3A_96] : memref<2048x128xbf16, #tpu.memory_space<vmem>>, vector<2048x128xbf16>
      tpu.vector_store %arg10[%swap3A_95, %swap3A_96], %convert_element_type3A_94 {strides = array<i32>} : memref<2048x128xbf16, #tpu.memory_space<vmem>>, vector<2048x128xbf16>,
    } else {
    }
    %eq3A_2 = arith.constant 1 : i32
    %eq3A_3 = arith.cmpi eq, %arg1, %eq3A_2 : i32
    %convert_element_type3A_4 = arith.extui %eq3A_3 : i1 to i32
    %cond3A_5 = arith.constant 0 : i32
    %cond3A_6 = arith.cmpi ne, %convert_element_type3A_4, %cond3A_5 : i32
    scf.if %cond3A_6 {
      %get3A = arith.constant 0 : index
      %get3A_22 = arith.constant 0 : index
      %get3A_23 = vector.load %arg8[%get3A, %get3A_22] : memref<2048x1536xbf16, #tpu.memory_space<vmem>>, vector<512x512xbf16>
      %get3A_24 = arith.constant 0 : index
      %get3A_25 = arith.constant 0 : index
      %get3A_26 = vector.load %arg9[%get3A_24, %get3A_25] : memref<2048x128xbf16, #tpu.memory_space<vmem>>, vector<512x128xbf16>
      %get3A_27 = arith.constant 0 : index
      %get3A_28 = arith.constant 512 : index
      %get3A_29 = vector.load %arg8[%get3A_27, %get3A_28] : memref<2048x1536xbf16, #tpu.memory_space<vmem>>, vector<512x512xbf16>
      %get3A_30 = arith.constant 0 : index
      %get3A_31 = arith.constant 1024 : index
      %get3A_32 = vector.load %arg8[%get3A_30, %get3A_31] : memref<2048x1536xbf16, #tpu.memory_space<vmem>>, vector<512x512xbf16>
      %get3A_33 = arith.constant 0 : index
      %get3A_34 = arith.constant 0 : index
      %get3A_35 = vector.load %arg10[%get3A_33, %get3A_34] : memref<2048x128xbf16, #tpu.memory_space<vmem>>, vector<512x128xbf16>
      %dot_general3A = arith.constant dense<0.000000e+00> : vector<512x512xf32>
      %dot_general3A_36 = tpu.matmul %get3A_23, %get3A_29, %dot_general3A {dimension_numbers = #tpu.dot_dimension_numbers<[1], [1], [0], [0], [0, 0, 1, 0], [], []>, transpose_lhs_hint = false} : vector<512x512xbf16>, vector<512x512xbf16>, vector<512x512xf32> -> vector<512x512xf32>
      %dot_general3A_37 = arith.constant dense<0.000000e+00> : vector<512x512xf32>
      %dot_general3A_38 = tpu.matmul %get3A_26, %get3A_35, %dot_general3A_37 {dimension_numbers = #tpu.dot_dimension_numbers<[1], [1], [0], [0], [0, 0, 1, 0], [], []>, transpose_lhs_hint = false} : vector<512x128xbf16>, vector<512x128xbf16>, vector<512x512xf32> -> vector<512x512xf32>
      %iota3A = tpu.iota {dimensions = array<i32: 0>} : vector<512x512xi32>
      %iota3A_39 = tpu.iota {dimensions = array<i32: 1>} : vector<512x512xi32>
      %add3A = arith.constant 0 : i32
      %add3A_40 = vector.broadcast %add3A : i32 to vector<512x512xi32>
      %add3A_41 = arith.addi %add3A_40, %iota3A : vector<512x512xi32>
      %ge3A = arith.cmpi sge, %add3A_41, %iota3A_39 : vector<512x512xi32>
      %mul3A = arith.mulf %dot_general3A_36, %dot_general3A_38 : vector<512x512xf32>
      %jit3A = arith.constant 0.000000e+00 : f32
      %broadcast_in_dim3A = vector.broadcast %jit3A : f32 to vector<512x512xf32>
      %select_n3A = arith.select %ge3A, %mul3A, %broadcast_in_dim3A : vector<512x512xi1>, vector<512x512xf32>
      %convert_element_type3A_42 = arith.truncf %select_n3A : vector<512x512xf32> to vector<512x512xbf16>
      %dot_general3A_43 = arith.constant dense<0.000000e+00> : vector<512x512xf32>
      %dot_general3A_44 = tpu.matmul %convert_element_type3A_42, %get3A_32, %dot_general3A_43 {dimension_numbers = #tpu.dot_dimension_numbers<[1], [0], [0], [1], [0, 0, 1, 1], [], []>, transpose_lhs_hint = false} : vector<512x512xbf16>, vector<512x512xbf16>, vector<512x512xf32> -> vector<512x512xf32>
      %convert_element_type3A_45 = arith.truncf %dot_general3A_44 : vector<512x512xf32> to vector<512x512xbf16>
      %get3A_46 = arith.constant 0 : index
      %get3A_47 = arith.constant 0 : index
      %get3A_48 = vector.load %arg5[%get3A_46, %get3A_47] : memref<512x1024xbf16, #tpu.memory_space<vmem>>, vector<512x1024xbf16>
      %dot_general3A_49 = arith.constant dense<0.000000e+00> : vector<512x1024xf32>
      %dot_general3A_50 = tpu.matmul %convert_element_type3A_45, %get3A_48, %dot_general3A_49 {dimension_numbers = #tpu.dot_dimension_numbers<[1], [0], [0], [1], [0, 0, 1, 1], [], []>, transpose_lhs_hint = false} : vector<512x512xbf16>, vector<512x1024xbf16>, vector<512x1024xf32> -> vector<512x1024xf32>
      %get3A_51 = arith.constant 0 : index
      %get3A_52 = arith.constant 0 : index
      %get3A_53 = vector.load %arg6[%get3A_51, %get3A_52] : memref<1x1024xf32, #tpu.memory_space<vmem>>, vector<1x1024xf32>
      %add3A_54 = vector.broadcast %get3A_53 : vector<1x1024xf32> to vector<512x1024xf32>
      %add3A_55 = arith.addf %dot_general3A_50, %add3A_54 : vector<512x1024xf32>
      %swap3A = arith.constant 0 : index
      %swap3A_56 = arith.constant 0 : index
      %swap3A_57 = arith.constant 0 : index
      %swap3A_58 = vector.load %arg7[%swap3A, %swap3A_56, %swap3A_57] : memref<1x512x1024xf32, #tpu.memory_space<vmem>>, vector<1x512x1024xf32>
      %swap3A_59 = vector.shape_cast %swap3A_58 : vector<1x512x1024xf32> to vector<512x1024xf32>
      %swap3A_60 = vector.shape_cast %add3A_55 : vector<512x1024xf32> to vector<1x512x1024xf32>
      tpu.vector_store %arg7[%swap3A, %swap3A_56, %swap3A_57], %swap3A_60 {strides = array<i32>} : memref<1x512x1024xf32, #tpu.memory_space<vmem>>, vector<1x512x1024xf32>,
    } else {
    }
    %eq3A_7 = arith.constant 2 : i32
    %eq3A_8 = arith.cmpi eq, %arg1, %eq3A_7 : i32
    %convert_element_type3A_9 = arith.extui %eq3A_8 : i1 to i32
    %cond3A_10 = arith.constant 0 : i32
    %cond3A_11 = arith.cmpi ne, %convert_element_type3A_9, %cond3A_10 : i32
    scf.if %cond3A_11 {
      %get3A = arith.constant 512 : index
      %get3A_22 = arith.constant 0 : index
      %get3A_23 = vector.load %arg8[%get3A, %get3A_22] : memref<2048x1536xbf16, #tpu.memory_space<vmem>>, vector<512x512xbf16>
      %get3A_24 = arith.constant 512 : index
      %get3A_25 = arith.constant 0 : index
      %get3A_26 = vector.load %arg9[%get3A_24, %get3A_25] : memref<2048x128xbf16, #tpu.memory_space<vmem>>, vector<512x128xbf16>
      %get3A_27 = arith.constant 0 : index
      %get3A_28 = arith.constant 512 : index
      %get3A_29 = vector.load %arg8[%get3A_27, %get3A_28] : memref<2048x1536xbf16, #tpu.memory_space<vmem>>, vector<1024x512xbf16>
      %get3A_30 = arith.constant 0 : index
      %get3A_31 = arith.constant 1024 : index
      %get3A_32 = vector.load %arg8[%get3A_30, %get3A_31] : memref<2048x1536xbf16, #tpu.memory_space<vmem>>, vector<1024x512xbf16>
      %get3A_33 = arith.constant 0 : index
      %get3A_34 = arith.constant 0 : index
      %get3A_35 = vector.load %arg10[%get3A_33, %get3A_34] : memref<2048x128xbf16, #tpu.memory_space<vmem>>, vector<1024x128xbf16>
      %dot_general3A = arith.constant dense<0.000000e+00> : vector<512x1024xf32>
      %dot_general3A_36 = tpu.matmul %get3A_23, %get3A_29, %dot_general3A {dimension_numbers = #tpu.dot_dimension_numbers<[1], [1], [0], [0], [0, 0, 1, 0], [], []>, transpose_lhs_hint = false} : vector<512x512xbf16>, vector<1024x512xbf16>, vector<512x1024xf32> -> vector<512x1024xf32>
      %dot_general3A_37 = arith.constant dense<0.000000e+00> : vector<512x1024xf32>
      %dot_general3A_38 = tpu.matmul %get3A_26, %get3A_35, %dot_general3A_37 {dimension_numbers = #tpu.dot_dimension_numbers<[1], [1], [0], [0], [0, 0, 1, 0], [], []>, transpose_lhs_hint = false} : vector<512x128xbf16>, vector<1024x128xbf16>, vector<512x1024xf32> -> vector<512x1024xf32>
      %iota3A = tpu.iota {dimensions = array<i32: 0>} : vector<512x1024xi32>
      %iota3A_39 = tpu.iota {dimensions = array<i32: 1>} : vector<512x1024xi32>
      %add3A = arith.constant 512 : i32
      %add3A_40 = vector.broadcast %add3A : i32 to vector<512x1024xi32>
      %add3A_41 = arith.addi %add3A_40, %iota3A : vector<512x1024xi32>
      %ge3A = arith.cmpi sge, %add3A_41, %iota3A_39 : vector<512x1024xi32>
      %mul3A = arith.mulf %dot_general3A_36, %dot_general3A_38 : vector<512x1024xf32>
      %jit3A = arith.constant 0.000000e+00 : f32
      %broadcast_in_dim3A = vector.broadcast %jit3A : f32 to vector<512x1024xf32>
      %select_n3A = arith.select %ge3A, %mul3A, %broadcast_in_dim3A : vector<512x1024xi1>, vector<512x1024xf32>
      %convert_element_type3A_42 = arith.truncf %select_n3A : vector<512x1024xf32> to vector<512x1024xbf16>
      %dot_general3A_43 = arith.constant dense<0.000000e+00> : vector<512x512xf32>
      %dot_general3A_44 = tpu.matmul %convert_element_type3A_42, %get3A_32, %dot_general3A_43 {dimension_numbers = #tpu.dot_dimension_numbers<[1], [0], [0], [1], [0, 0, 1, 1], [], []>, transpose_lhs_hint = false} : vector<512x1024xbf16>, vector<1024x512xbf16>, vector<512x512xf32> -> vector<512x512xf32>
      %convert_element_type3A_45 = arith.truncf %dot_general3A_44 : vector<512x512xf32> to vector<512x512xbf16>
      %get3A_46 = arith.constant 0 : index
      %get3A_47 = arith.constant 0 : index
      %get3A_48 = vector.load %arg5[%get3A_46, %get3A_47] : memref<512x1024xbf16, #tpu.memory_space<vmem>>, vector<512x1024xbf16>
      %dot_general3A_49 = arith.constant dense<0.000000e+00> : vector<512x1024xf32>
      %dot_general3A_50 = tpu.matmul %convert_element_type3A_45, %get3A_48, %dot_general3A_49 {dimension_numbers = #tpu.dot_dimension_numbers<[1], [0], [0], [1], [0, 0, 1, 1], [], []>, transpose_lhs_hint = false} : vector<512x512xbf16>, vector<512x1024xbf16>, vector<512x1024xf32> -> vector<512x1024xf32>
      %get3A_51 = arith.constant 0 : index
      %get3A_52 = arith.constant 0 : index
      %get3A_53 = vector.load %arg6[%get3A_51, %get3A_52] : memref<1x1024xf32, #tpu.memory_space<vmem>>, vector<1x1024xf32>
      %add3A_54 = vector.broadcast %get3A_53 : vector<1x1024xf32> to vector<512x1024xf32>
      %add3A_55 = arith.addf %dot_general3A_50, %add3A_54 : vector<512x1024xf32>
      %swap3A = arith.constant 0 : index
      %swap3A_56 = arith.constant 0 : index
      %swap3A_57 = arith.constant 0 : index
      %swap3A_58 = vector.load %arg7[%swap3A, %swap3A_56, %swap3A_57] : memref<1x512x1024xf32, #tpu.memory_space<vmem>>, vector<1x512x1024xf32>
      %swap3A_59 = vector.shape_cast %swap3A_58 : vector<1x512x1024xf32> to vector<512x1024xf32>
      %swap3A_60 = vector.shape_cast %add3A_55 : vector<512x1024xf32> to vector<1x512x1024xf32>
      tpu.vector_store %arg7[%swap3A, %swap3A_56, %swap3A_57], %swap3A_60 {strides = array<i32>} : memref<1x512x1024xf32, #tpu.memory_space<vmem>>, vector<1x512x1024xf32>,
    } else {
    }
    %eq3A_12 = arith.constant 3 : i32
    %eq3A_13 = arith.cmpi eq, %arg1, %eq3A_12 : i32
    %convert_element_type3A_14 = arith.extui %eq3A_13 : i1 to i32
    %cond3A_15 = arith.constant 0 : i32
    %cond3A_16 = arith.cmpi ne, %convert_element_type3A_14, %cond3A_15 : i32
    scf.if %cond3A_16 {
      %get3A = arith.constant 1024 : index
      %get3A_22 = arith.constant 0 : index
      %get3A_23 = vector.load %arg8[%get3A, %get3A_22] : memref<2048x1536xbf16, #tpu.memory_space<vmem>>, vector<512x512xbf16>
      %get3A_24 = arith.constant 1024 : index
      %get3A_25 = arith.constant 0 : index
      %get3A_26 = vector.load %arg9[%get3A_24, %get3A_25] : memref<2048x128xbf16, #tpu.memory_space<vmem>>, vector<512x128xbf16>
      %get3A_27 = arith.constant 0 : index
      %get3A_28 = arith.constant 512 : index
      %get3A_29 = vector.load %arg8[%get3A_27, %get3A_28] : memref<2048x1536xbf16, #tpu.memory_space<vmem>>, vector<1536x512xbf16>
      %get3A_30 = arith.constant 0 : index
      %get3A_31 = arith.constant 1024 : index
      %get3A_32 = vector.load %arg8[%get3A_30, %get3A_31] : memref<2048x1536xbf16, #tpu.memory_space<vmem>>, vector<1536x512xbf16>
      %get3A_33 = arith.constant 0 : index
      %get3A_34 = arith.constant 0 : index
      %get3A_35 = vector.load %arg10[%get3A_33, %get3A_34] : memref<2048x128xbf16, #tpu.memory_space<vmem>>, vector<1536x128xbf16>
      %dot_general3A = arith.constant dense<0.000000e+00> : vector<512x1536xf32>
      %dot_general3A_36 = tpu.matmul %get3A_23, %get3A_29, %dot_general3A {dimension_numbers = #tpu.dot_dimension_numbers<[1], [1], [0], [0], [0, 0, 1, 0], [], []>, transpose_lhs_hint = false} : vector<512x512xbf16>, vector<1536x512xbf16>, vector<512x1536xf32> -> vector<512x1536xf32>
      %dot_general3A_37 = arith.constant dense<0.000000e+00> : vector<512x1536xf32>
      %dot_general3A_38 = tpu.matmul %get3A_26, %get3A_35, %dot_general3A_37 {dimension_numbers = #tpu.dot_dimension_numbers<[1], [1], [0], [0], [0, 0, 1, 0], [], []>, transpose_lhs_hint = false} : vector<512x128xbf16>, vector<1536x128xbf16>, vector<512x1536xf32> -> vector<512x1536xf32>
      %iota3A = tpu.iota {dimensions = array<i32: 0>} : vector<512x1536xi32>
      %iota3A_39 = tpu.iota {dimensions = array<i32: 1>} : vector<512x1536xi32>
      %add3A = arith.constant 1024 : i32
      %add3A_40 = vector.broadcast %add3A : i32 to vector<512x1536xi32>
      %add3A_41 = arith.addi %add3A_40, %iota3A : vector<512x1536xi32>
      %ge3A = arith.cmpi sge, %add3A_41, %iota3A_39 : vector<512x1536xi32>
      %mul3A = arith.mulf %dot_general3A_36, %dot_general3A_38 : vector<512x1536xf32>
      %jit3A = arith.constant 0.000000e+00 : f32
      %broadcast_in_dim3A = vector.broadcast %jit3A : f32 to vector<512x1536xf32>
      %select_n3A = arith.select %ge3A, %mul3A, %broadcast_in_dim3A : vector<512x1536xi1>, vector<512x1536xf32>
      %convert_element_type3A_42 = arith.truncf %select_n3A : vector<512x1536xf32> to vector<512x1536xbf16>
      %dot_general3A_43 = arith.constant dense<0.000000e+00> : vector<512x512xf32>
      %dot_general3A_44 = tpu.matmul %convert_element_type3A_42, %get3A_32, %dot_general3A_43 {dimension_numbers = #tpu.dot_dimension_numbers<[1], [0], [0], [1], [0, 0, 1, 1], [], []>, transpose_lhs_hint = false} : vector<512x1536xbf16>, vector<1536x512xbf16>, vector<512x512xf32> -> vector<512x512xf32>
      %convert_element_type3A_45 = arith.truncf %dot_general3A_44 : vector<512x512xf32> to vector<512x512xbf16>
      %get3A_46 = arith.constant 0 : index
      %get3A_47 = arith.constant 0 : index
      %get3A_48 = vector.load %arg5[%get3A_46, %get3A_47] : memref<512x1024xbf16, #tpu.memory_space<vmem>>, vector<512x1024xbf16>
      %dot_general3A_49 = arith.constant dense<0.000000e+00> : vector<512x1024xf32>
      %dot_general3A_50 = tpu.matmul %convert_element_type3A_45, %get3A_48, %dot_general3A_49 {dimension_numbers = #tpu.dot_dimension_numbers<[1], [0], [0], [1], [0, 0, 1, 1], [], []>, transpose_lhs_hint = false} : vector<512x512xbf16>, vector<512x1024xbf16>, vector<512x1024xf32> -> vector<512x1024xf32>
      %get3A_51 = arith.constant 0 : index
      %get3A_52 = arith.constant 0 : index
      %get3A_53 = vector.load %arg6[%get3A_51, %get3A_52] : memref<1x1024xf32, #tpu.memory_space<vmem>>, vector<1x1024xf32>
      %add3A_54 = vector.broadcast %get3A_53 : vector<1x1024xf32> to vector<512x1024xf32>
      %add3A_55 = arith.addf %dot_general3A_50, %add3A_54 : vector<512x1024xf32>
      %swap3A = arith.constant 0 : index
      %swap3A_56 = arith.constant 0 : index
      %swap3A_57 = arith.constant 0 : index
      %swap3A_58 = vector.load %arg7[%swap3A, %swap3A_56, %swap3A_57] : memref<1x512x1024xf32, #tpu.memory_space<vmem>>, vector<1x512x1024xf32>
      %swap3A_59 = vector.shape_cast %swap3A_58 : vector<1x512x1024xf32> to vector<512x1024xf32>
      %swap3A_60 = vector.shape_cast %add3A_55 : vector<512x1024xf32> to vector<1x512x1024xf32>
      tpu.vector_store %arg7[%swap3A, %swap3A_56, %swap3A_57], %swap3A_60 {strides = array<i32>} : memref<1x512x1024xf32, #tpu.memory_space<vmem>>, vector<1x512x1024xf32>,
    } else {
    }
    %eq3A_17 = arith.constant 4 : i32
    %eq3A_18 = arith.cmpi eq, %arg1, %eq3A_17 : i32
    %convert_element_type3A_19 = arith.extui %eq3A_18 : i1 to i32
    %cond3A_20 = arith.constant 0 : i32
    %cond3A_21 = arith.cmpi ne, %convert_element_type3A_19, %cond3A_20 : i32
    scf.if %cond3A_21 {
      %get3A = arith.constant 1536 : index
      %get3A_22 = arith.constant 0 : index
      %get3A_23 = vector.load %arg8[%get3A, %get3A_22] : memref<2048x1536xbf16, #tpu.memory_space<vmem>>, vector<512x512xbf16>
      %get3A_24 = arith.constant 1536 : index
      %get3A_25 = arith.constant 0 : index
      %get3A_26 = vector.load %arg9[%get3A_24, %get3A_25] : memref<2048x128xbf16, #tpu.memory_space<vmem>>, vector<512x128xbf16>
      %get3A_27 = arith.constant 0 : index
      %get3A_28 = arith.constant 512 : index
      %get3A_29 = vector.load %arg8[%get3A_27, %get3A_28] : memref<2048x1536xbf16, #tpu.memory_space<vmem>>, vector<2048x512xbf16>
      %get3A_30 = arith.constant 0 : index
      %get3A_31 = arith.constant 1024 : index
      %get3A_32 = vector.load %arg8[%get3A_30, %get3A_31] : memref<2048x1536xbf16, #tpu.memory_space<vmem>>, vector<2048x512xbf16>
      %get3A_33 = arith.constant 0 : index
      %get3A_34 = arith.constant 0 : index
      %get3A_35 = vector.load %arg10[%get3A_33, %get3A_34] : memref<2048x128xbf16, #tpu.memory_space<vmem>>, vector<2048x128xbf16>
      %dot_general3A = arith.constant dense<0.000000e+00> : vector<512x2048xf32>
      %dot_general3A_36 = tpu.matmul %get3A_23, %get3A_29, %dot_general3A {dimension_numbers = #tpu.dot_dimension_numbers<[1], [1], [0], [0], [0, 0, 1, 0], [], []>, transpose_lhs_hint = false} : vector<512x512xbf16>, vector<2048x512xbf16>, vector<512x2048xf32> -> vector<512x2048xf32>
      %dot_general3A_37 = arith.constant dense<0.000000e+00> : vector<512x2048xf32>
      %dot_general3A_38 = tpu.matmul %get3A_26, %get3A_35, %dot_general3A_37 {dimension_numbers = #tpu.dot_dimension_numbers<[1], [1], [0], [0], [0, 0, 1, 0], [], []>, transpose_lhs_hint = false} : vector<512x128xbf16>, vector<2048x128xbf16>, vector<512x2048xf32> -> vector<512x2048xf32>
      %iota3A = tpu.iota {dimensions = array<i32: 0>} : vector<512x2048xi32>
      %iota3A_39 = tpu.iota {dimensions = array<i32: 1>} : vector<512x2048xi32>
      %add3A = arith.constant 1536 : i32
      %add3A_40 = vector.broadcast %add3A : i32 to vector<512x2048xi32>
      %add3A_41 = arith.addi %add3A_40, %iota3A : vector<512x2048xi32>
      %ge3A = arith.cmpi sge, %add3A_41, %iota3A_39 : vector<512x2048xi32>
      %mul3A = arith.mulf %dot_general3A_36, %dot_general3A_38 : vector<512x2048xf32>
      %jit3A = arith.constant 0.000000e+00 : f32
      %broadcast_in_dim3A = vector.broadcast %jit3A : f32 to vector<512x2048xf32>
      %select_n3A = arith.select %ge3A, %mul3A, %broadcast_in_dim3A : vector<512x2048xi1>, vector<512x2048xf32>
      %convert_element_type3A_42 = arith.truncf %select_n3A : vector<512x2048xf32> to vector<512x2048xbf16>
      %dot_general3A_43 = arith.constant dense<0.000000e+00> : vector<512x512xf32>
      %dot_general3A_44 = tpu.matmul %convert_element_type3A_42, %get3A_32, %dot_general3A_43 {dimension_numbers = #tpu.dot_dimension_numbers<[1], [0], [0], [1], [0, 0, 1, 1], [], []>, transpose_lhs_hint = false} : vector<512x2048xbf16>, vector<2048x512xbf16>, vector<512x512xf32> -> vector<512x512xf32>
      %convert_element_type3A_45 = arith.truncf %dot_general3A_44 : vector<512x512xf32> to vector<512x512xbf16>
      %get3A_46 = arith.constant 0 : index
      %get3A_47 = arith.constant 0 : index
      %get3A_48 = vector.load %arg5[%get3A_46, %get3A_47] : memref<512x1024xbf16, #tpu.memory_space<vmem>>, vector<512x1024xbf16>
      %dot_general3A_49 = arith.constant dense<0.000000e+00> : vector<512x1024xf32>
      %dot_general3A_50 = tpu.matmul %convert_element_type3A_45, %get3A_48, %dot_general3A_49 {dimension_numbers = #tpu.dot_dimension_numbers<[1], [0], [0], [1], [0, 0, 1, 1], [], []>, transpose_lhs_hint = false} : vector<512x512xbf16>, vector<512x1024xbf16>, vector<512x1024xf32> -> vector<512x1024xf32>
      %get3A_51 = arith.constant 0 : index
      %get3A_52 = arith.constant 0 : index
      %get3A_53 = vector.load %arg6[%get3A_51, %get3A_52] : memref<1x1024xf32, #tpu.memory_space<vmem>>, vector<1x1024xf32>
      %add3A_54 = vector.broadcast %get3A_53 : vector<1x1024xf32> to vector<512x1024xf32>
      %add3A_55 = arith.addf %dot_general3A_50, %add3A_54 : vector<512x1024xf32>
      %swap3A = arith.constant 0 : index
      %swap3A_56 = arith.constant 0 : index
      %swap3A_57 = arith.constant 0 : index
      %swap3A_58 = vector.load %arg7[%swap3A, %swap3A_56, %swap3A_57] : memref<1x512x1024xf32, #tpu.memory_space<vmem>>, vector<1x512x1024xf32>
      %swap3A_59 = vector.shape_cast %swap3A_58 : vector<1x512x1024xf32> to vector<512x1024xf32>
      %swap3A_60 = vector.shape_cast %add3A_55 : vector<512x1024xf32> to vector<1x512x1024xf32>
      tpu.vector_store %arg7[%swap3A, %swap3A_56, %swap3A_57], %swap3A_60 {strides = array<i32>} : memref<1x512x1024xf32, #tpu.memory_space<vmem>>, vector<1x512x1024xf32>,
    } else {
    }
    return
  }
  func.func @transform_0(%arg0: i32, %arg1: i32) -> (i32, i32, i32) {
    %c0_i32 = arith.constant 0 : i32
    %c0_i32_0 = arith.constant 0 : i32
    %c0_i32_1 = arith.constant 0 : i32
    return %arg0, %c0_i32, %c0_i32_0 : i32, i32, i32
  }
  func.func @transform_1(%arg0: i32, %arg1: i32) -> (i32, i32) {
    %c0_i32 = arith.constant 0 : i32
    %c0_i32_0 = arith.constant 0 : i32
    %c0_i32_1 = arith.constant 0 : i32
    return %c0_i32, %c0_i32_0 : i32, i32
  }
  func.func @transform_2(%arg0: i32, %arg1: i32) -> (i32, i32) {
    %c0_i32 = arith.constant 0 : i32
    %c0_i32_0 = arith.constant 0 : i32
    %c0_i32_1 = arith.constant 0 : i32
    return %c0_i32, %c0_i32_0 : i32, i32
  }
  func.func @transform_3(%arg0: i32, %arg1: i32) -> (i32, i32) {
    %c0_i32 = arith.constant 0 : i32
    %c0_i32_0 = arith.constant 0 : i32
    %c0_i32_1 = arith.constant 0 : i32
    return %c0_i32, %c0_i32_0 : i32, i32
  }
  func.func @transform_4(%arg0: i32, %arg1: i32) -> (i32, i32) {
    %c0_i32 = arith.constant 0 : i32
    %c0_i32_0 = arith.constant 0 : i32
    %c0_i32_1 = arith.constant 0 : i32
    return %c0_i32, %c0_i32_0 : i32, i32
  }
  func.func @transform_5(%arg0: i32, %arg1: i32) -> (i32, i32, i32) {
    %eq3A = arith.constant 0 : i32
    %eq3A_0 = arith.cmpi eq, %arg1, %eq3A : i32
    %sub3A = arith.constant 1 : i32
    %sub3A_1 = arith.subi %arg1, %sub3A : i32
    %jit3A = arith.constant 0 : i32
    %select_n3A = arith.select %eq3A_0, %jit3A, %sub3A_1 : i32
    %c0_i32 = arith.constant 0 : i32
    %c0_i32_2 = arith.constant 0 : i32
    return %arg0, %select_n3A, %c0_i32 : i32, i32, i32
  }
}

</mosaic_0001>

<sc_bundles>
// kernel: kernel.4.cloned.1.call-start
scs
__scs_entry_jumppad:
0x0: {  	(pc) =	sbr.rel $0x88, $3  }
0x1: {  	(tag) =	ssettag $0x0;
	lr =	simm.s32 $0x1  }
0x2: {  	[smem:$0x3F99] =	sst lr;
	_ =	strace $0xD0000000  }
0x3: {  	_ = 	snop  }
0x4: {  	_ = 	snop  }
0x5: {  	_ = 	snop  }
0x6: {  	_ = 	snop  }
0x7: {  	_ = 	snop  }
__scs_overlays_trampoline_lowered:
0x8: {  	[smem:$0x3FA8] =	sst s0  }
0x9: {  	[smem:$0x3FA9] =	sst s1  }
0xa: {  	[smem:$0x3FAA] =	sst s2  }
0xb: {  	[smem:$0x3FAB] =	sst s3  }
0xc: {  	[smem:$0x3FAC] =	sst s4  }
0xd: {  	[smem:$0x3FAD] =	sst s5  }
0xe: {  	[smem:$0x3FAE] =	sst s6  }
0xf: {  	[smem:$0x3FAF] =	sst s7  }
0x10: {  	[smem:$0x3FB0] =	sst s8  }
0x11: {  	[smem:$0x3FB1] =	sst s9;
	s0 =	simm.s32 @!p0 $0x0  }
0x12: {  	s1 =	sld [smem:$0x3F97];
	s0 =	simm.s32 @p0 $0x1  }
0x13: {  	[smem:$0x3FB2] =	sst s0;
	s0 =	simm.s32 @!p1 $0x0  }
0x14: {  	s2 =	sld [smem:$0x3F96];
	s0 =	simm.s32 @p1 $0x1  }
0x15: {  	[smem:$0x3FB3] =	sst s0;
	s0 =	simm.s32 @!p2 $0x0  }
0x16: {  	s3 =	sld [smem:$0x3FDB];
	s0 =	simm.s32 @p2 $0x1  }
0x17: {  	s4 =	simm.s32 $0x1BF5;
	[smem:$0x3FB5] =	sst s0  }
0x18: {  	s0 =	sld [smem:$0x3F98];
	_ =	swait.ge [sflag:s4], $0x0  }
0x19: {  	s7 =	sld [smem:$0x3F99]  }
0x1a: {  	s8 =	sadd.s32 $0xFFFFE003, lr  }
0x1b: {  	s9 =	sadd.s32 $0xFFFFFEF7, lr;
	s5 =	simm.s32 $0xFFFFFFFF;
	p2 =	slt.u32 s8, $0xFFFFF086  }
0x1c: {  	p1 =	slt.u32 s9, $0xF7A;
	s5 =	simm.s32 @!p2 $0x0  }
0x1d: {  	s5 =	simm.s32 @p1 $0x1;
	p0 =	seq.s32 s7, s2  }
0x1e: {  	s7 =	smul.u32 @!p0 $0xF7A, s2;
	p2 =	seq.s32 @!p0 s5, $0x0  }
0x1f: {  	s9 =	smul.u32 $0xF7A, s1;
	s8 =	simm.s32 @!p0 $0x1BF5;
	p2 =	por !p2, p0  }
0x20: {  	[sflag:s8] =	ssyncset.s32 @!p0 $0xFFFFF086;
	s6 =	sadd.s32 @!p0 s3, s7;
	s7 =	simm.s32 @!p0 $0x108  }
0x21: {  	s3 =	sadd.s32 s3, s9;
	s6 =	sadd.s32 @!p0 $0x88, s6;
	s7 =	simm.s32 @p2 $0x1082  }
0x22: {  	[simem:s7], [sflag:s8] =	dma.local @!p0 [hbm:s6], $0xF7A  }
0x23: {  	s9 =	sor.u32 $0xD0000000, s2;
	s6 =	simm.s32 $0x108;
	_ =	swait.ge @!p0 [sflag:s8], $0x0  }
0x24: {  	s3 =	sadd.s32 $0x88, s3;
	s6 =	simm.s32 @!p1 $0x1082;
	[sflag:s4] =	ssyncset.s32 $0xFFFFF086  }
0x25: {  	[simem:s6], [sflag:s4] =	dma.local [hbm:s3], $0xF7A  }
0x26: {  	[smem:$0x3F99] =	sst s1;
	(tag) =	ssettag s2;
	_ =	strace s9  }
0x27: {  	s1 =	sld [smem:$0x3FA9]  }
0x28: {  	s2 =	sld [smem:$0x3FAA]  }
0x29: {  	s4 =	sld [smem:$0x3FAC]  }
0x2a: {  	p0 =	seq.s32 s5, $0x0;
	s5 =	sld [smem:$0x3FAD]  }
0x2b: {  	s6 =	sld [smem:$0x3FAE]  }
0x2c: {  	s7 =	sld [smem:$0x3FAF]  }
0x2d: {  	s3 =	simm.s32 $0x108;
	s8 =	sld [smem:$0x3FB0]  }
0x2e: {  	s3 =	simm.s32 @!p0 $0x1082;
	s9 =	sld [smem:$0x3FB1]  }
0x2f: {  	lr =	sadd.s32 s0, s3;
	s0 =	sld [smem:$0x3FA8]  }
0x30: {  	s3 =	sld [smem:$0x3FAB]  }
0x31: {  	[smem:$0x3FB4] =	sst s10  }
0x32: {  	s10 =	sld [smem:$0x3FB2];
	_ =	sdelay $0x3  }
0x33: {  	p0 =	seq.s32 s10, $0x1;
	s10 =	sld [smem:$0x3FB4];
	_ =	sdelay $0x3  }
0x34: {  	[smem:$0x3FB4] =	sst s10  }
0x35: {  	s10 =	sld [smem:$0x3FB3];
	_ =	sdelay $0x3  }
0x36: {  	p1 =	seq.s32 s10, $0x1;
	s10 =	sld [smem:$0x3FB4];
	_ =	sdelay $0x3  }
0x37: {  	[smem:$0x3FB4] =	sst s10  }
0x38: {  	s10 =	sld [smem:$0x3FB5]  }
0x39: {  	_ = 	snop;
	(pc) =	sbr.ind lr, $3  }
0x3a: {  	_ = 	snop  }
0x3b: {  	_ = 	snop  }
0x3c: {  	p2 =	seq.s32 s10, $0x1;
	s10 =	sld [smem:$0x3FB4]  }
0x3d: {  	_ =	shalt  }
0x3e: {  	_ =	shalt  }
0x3f: {  	_ =	shalt  }
0x40: {  	_ =	shalt  }
0x41: {  	_ =	shalt  }
0x42: {  	_ =	shalt  }
0x43: {  	_ =	shalt  }
0x44: {  	_ =	shalt  }
0x45: {  	_ =	shalt  }
0x46: {  	_ =	shalt  }
0x47: {  	_ =	shalt  }
0x48: {  	_ =	shalt  }
0x49: {  	_ =	shalt  }
0x4a: {  	_ =	shalt  }
0x4b: {  	_ =	shalt  }
0x4c: {  	_ =	shalt  }
0x4d: {  	_ =	shalt  }
0x4e: {  	_ =	shalt  }
0x4f: {  	_ =	shalt  }
0x50: {  	_ =	shalt  }
0x51: {  	_ =	shalt  }
0x52: {  	_ =	shalt  }
0x53: {  	_ =	shalt  }
0x54: {  	_ =	shalt  }
0x55: {  	_ =	shalt  }
0x56: {  	_ =	shalt  }
0x57: {  	_ =	shalt  }
0x58: {  	_ =	shalt  }
0x59: {  	_ =	shalt  }
0x5a: {  	_ =	shalt  }
0x5b: {  	_ =	shalt  }
0x5c: {  	_ =	shalt  }
0x5d: {  	_ =	shalt  }
0x5e: {  	_ =	shalt  }
0x5f: {  	_ =	shalt  }
0x60: {  	_ =	shalt  }
0x61: {  	_ =	shalt  }
0x62: {  	_ =	shalt  }
0x63: {  	_ =	shalt  }
0x64: {  	_ =	shalt  }
0x65: {  	_ =	shalt  }
0x66: {  	_ =	shalt  }
0x67: {  	_ =	shalt  }
0x68: {  	_ =	shalt  }
0x69: {  	_ =	shalt  }
0x6a: {  	_ =	shalt  }
0x6b: {  	_ =	shalt  }
0x6c: {  	_ =	shalt  }
0x6d: {  	_ =	shalt  }
0x6e: {  	_ =	shalt  }
0x6f: {  	_ =	shalt  }
0x70: {  	_ =	shalt  }
0x71: {  	_ =	shalt  }
0x72: {  	_ =	shalt  }
0x73: {  	_ =	shalt  }
0x74: {  	_ =	shalt  }
0x75: {  	_ =	shalt  }
0x76: {  	_ =	shalt  }
0x77: {  	_ =	shalt  }
0x78: {  	_ =	shalt  }
0x79: {  	_ =	shalt  }
0x7a: {  	_ =	shalt  }
0x7b: {  	_ =	shalt  }
0x7c: {  	_ =	shalt  }
0x7d: {  	_ =	shalt  }
0x7e: {  	_ =	shalt  }
0x7f: {  	_ =	shalt  }
0x80: {  	_ =	shalt  }
0x81: {  	_ =	shalt  }
0x82: {  	_ =	shalt  }
0x83: {  	_ =	shalt  }
0x84: {  	_ =	shalt  }
0x85: {  	_ =	shalt  }
0x86: {  	_ =	shalt  }
0x87: {  	_ =	shalt  }
.Lfunc_end0:
.L_simem_size_0:
called_computation_lowered:
.L_overlay_start_0:
0x88: {  	s2 =	sld [smem:$0x3FD9]  }
0x89: {  	s3 =	sld [smem:$0x3FFE];
	_ =	sdelay $0x1  }
0x8a: {  	s1 =	srdreg.scid  }
0x8b: {  	s0 =	sand.u32 $0x1, s1  }
0x8c: {  	s17 =	sshll.u32 s0, $0xA;
	s2 =	sadd.s32 s3, s2  }
0x8d: {  	s2 =	sadd.s32 s2, s17  }
0x8e: {  	[smem:$0x3FC0] =	sst s2  }
0x8f: {  	_ = 	snop  }
0x90: {  	s2 =	sld [smem:$0x3FC8]  }
0x91: {  	s18 =	sld [smem:$0x3FD0];
	(tm) =	ssettm $0x1  }
0x92: {  	s4 =	sld [smem:$0x3FFB];
	_ =	sdelay $0x3  }
0x93: {  	_ =	strace s4  }
0x94: {  	s4 =	sld [smem:$0x3FFC];
	_ =	sdelay $0x3  }
0x95: {  	_ =	strace s4  }
0x96: {  	s4 =	sld [smem:$0x3FFD];
	_ =	sdelay $0x3  }
0x97: {  	_ =	strace s4  }
0x98: {  	_ =	strace $0x8FFFFFFF  }
0x99: {  	s19 =	sld [smem:$0x3FDB];
	_ =	sdelay $0x1  }
0x9a: {  	s5 =	simm.s32 $_scs_section_size  }
0x9b: {  	s6 =	simm.s32 $_size__tile_overlayer_lowered;
	s7 =	simm.s32 $_tile_overlayer_lowered  }
0x9c: {  	s22 =	simm.s32 $0x1BFF;
	s21 =	sshll.u32 s7, $0x1;
	s4 =	sadd.s32 s5, s19  }
0x9d: {  	s8 =	simm.s32 $0x0;
	s20 =	sshll.u32 s6, $0x1;
	s6 =	sadd.s32 s21, s4  }
0x9e: {  	[timem:s8], [sflag:s22] =	dma.local [hbm:s6], s20  }
0x9f: {  	_ =	swait.ge [sflag:s22], s20  }
0xa0: {  	s5 =	ssub.s32 $0x0, s20;
	[sflag:s22] =	ssyncset.done $0x0  }
0xa1: {  	[sflag:s22] =	ssyncadd.s32 s5;
	_ =	sdelay $0x1  }
0xa2: {  	s23 =	simm.s32 $0x1B8B  }
0xa3: {  	_ =	swait.ge [sflag:s23], $0x1  }
0xa4: {  	[sflag:s23] =	ssyncset.done $0x0  }
0xa5: {  	s25 =	simm.s32 $0x1B8E;
	s24 =	sld [smem:$0x3FFE];
	[sflag:s23] =	ssyncadd.s32 $0xFFFFFFFF  }
0xa6: {  	s26 =	simm.s32 $execute0_lowered;
	[smem:$0x3FD2] =	sst s25  }
0xa7: {  	s6 =	sshll.u32 s26, $0x1;
	_ =	strace $0x80000046;
	[dreg:$0x1] =	wrdreg $0xFFFFFFFF  }
0xa8: {  	s28 =	simm.s32 $_size_execute0_lowered;
	s4 =	sadd.s32 s4, s6;
	[dreg:$0x0] =	wrdreg $0x0  }
0xa9: {  	s6 =	sshll.u32 s28, $0x1;
	[dreg:$0x2] =	wrdreg s4  }
0xaa: {  	[dreg:$0x3] =	wrdreg s6  }
0xab: {  	[dreg:$0x4] =	wrdreg $0xC0  }
0xac: {  	_ =	task [dreg:s8], $0x5FFFF  }
0xad: {  	[dreg:$0x1] =	wrdreg $0xFFFFFFFF  }
0xae: {  	[dreg:$0x0] =	wrdreg $0x60  }
0xaf: {  	[dreg:$0x2] =	wrdreg s2  }
0xb0: {  	[dreg:$0x3] =	wrdreg s24  }
0xb1: {  	[dreg:$0x4] =	wrdreg s18  }
0xb2: {  	[dreg:$0x5] =	wrdreg $0x9  }
0xb3: {  	_ =	task.clear_ibuf [dreg:s8], $0x6FFFF;
	_ =	strace $0x90000046  }
0xb4: {  	s29 =	simm.s32 $0x9;
	_ =	strace $0x80000048  }
0xb5: {  	_ =	swait.ge [sflag:s29], $0x1  }
0xb6: {  	[sflag:s29] =	ssyncadd.s32 $0xFFFFFFFF  }
0xb7: {  	_ =	strace $0x90000048  }
0xb8: {  	_ =	sfence  }
0xb9: {  	s30 =	sld [smem:$0x0];
	_ =	sdelay $0x2  }
0xba: {  	s31 =	sshll.u32 s1, $0xD;
	s1 =	sshrl.u32 s1, $0x2  }
0xbb: {  	s3 =	sand.u32 $0x4000, s31;
	s1 =	sadd.s32 s1, s30  }
0xbc: {  	s0 =	sor.u32 s3, s0;
	s1 =	sshll.u32 s1, $0x11  }
0xbd: {  	s0 =	sor.u32 s1, s0  }
0xbe: {  	s0 =	sadd.s32 $0x8F2B, s0  }
0xbf: {  	[sflag:s0] =	ssyncadd.remote.s32 $0x1  }
0xc0: {  	_ =	sfence.sel $0xFFFF  }
0xc1: {  	[dreg:$0x0] =	wrdreg $0xFFFFFFFF;
	(pc) =	sbr.abs _section_cstart, $3  }
0xc2: {  	[dreg:$0x1] =	wrdreg $0xFFFFFFFF  }
0xc3: {  	_ =	task.clear_ibuf [dreg:s8], $0x2FFFF;
	_ =	strace $0x9FFFFFFF  }
0xc4: {  	(tm) =	ssettm $0x7FFFFFFF  }
0xc5: {  	_ =	shalt  }
tec
execute0_lowered:
.L_overlay_start_1:
0x0: {  	(tag) =	ssettag $0x1  }
0x1: {  	s0 =	srdreg.scid  }
0x2: {  	s1 =	rddreg [dreg:$0x0];
	s3 =	stileid.u32;
	s0 =	sand.u32 $0x1, s0  }
0x3: {  	s2 =	rddreg [dreg:$0x1];
	s3 =	sshll.u32 s3, $0x8;
	s4 =	sshll.u32 s0, $0x7  }
0x4: {  	s5 =	rddreg [dreg:$0x2];
	s4 =	sor.u32 s4, s3;
	s3 =	simm.s32 $0x0  }
0x5: {  	s19 =	simm.s32 $0x8880;
	[smem:$0x7FF] =	sst s3  }
0x6: {  	s20 =	simm.s32 $0x9080;
	_ =	strace $0x80000047;
	[dreg:$0x8] =	wrdreg s19  }
0x7: {  	s21 =	simm.s32 $0x9880;
	[dreg:$0x9] =	wrdreg s20  }
0x8: {  	s22 =	simm.s32 $0xA080;
	[dreg:$0xa] =	wrdreg s21  }
0x9: {  	s23 =	simm.s32 $0xA880;
	[dreg:$0xb] =	wrdreg s22  }
0xa: {  	s24 =	simm.s32 $0xB080;
	[dreg:$0xc] =	wrdreg s23  }
0xb: {  	s25 =	simm.s32 $0xB880;
	[dreg:$0xd] =	wrdreg s24  }
0xc: {  	s26 =	simm.s32 $0xC080;
	[dreg:$0xe] =	wrdreg s25  }
0xd: {  	s7 =	simm.s32 $0xD880;
	s8 =	simm.s32 $0xE080;
	[dreg:$0xf] =	wrdreg s26  }
0xe: {  	s9 =	simm.s32 $0xE880;
	s10 =	simm.s32 $0xF080;
	[dreg:$0x12] =	wrdreg s7  }
0xf: {  	s11 =	simm.s32 $0xF880;
	s12 =	simm.s32 $0x10880;
	[dreg:$0x13] =	wrdreg s8  }
0x10: {  	s13 =	simm.s32 $0x11080;
	s14 =	simm.s32 $0x11880;
	[dreg:$0x14] =	wrdreg s9  }
0x11: {  	s15 =	simm.s32 $0x12080;
	s29 =	simm.s32 $0x1;
	[dreg:$0x15] =	wrdreg s10  }
0x12: {  	s30 =	simm.s32 $0x4;
	s28 =	simm.s32 $0x7880;
	[dreg:$0x16] =	wrdreg s11  }
0x13: {  	s31 =	simm.s32 $0x10080;
	s0 =	ssub.s32 $0x2, s0;
	[dreg:$0x17] =	wrdreg s12  }
0x14: {  	s6 =	sshrl.u32 s4, $0x3;
	s4 =	sshll.u32 s4, $0x7;
	[dreg:$0x18] =	wrdreg s13  }
0x15: {  	s2 =	sadd.s32 s6, s2;
	s4 =	sadd.s32 s5, s4;
	[dreg:$0x19] =	wrdreg s14  }
0x16: {  	s5 =	simm.s32 $0xD080;
	s6 =	sshrl.u32 s0, $0x1;
	[dreg:$0x1a] =	wrdreg s15  }
0x17: {  	s7 =	sadd.s32 $0x300, s1;
	s10 =	simm.s32 $0x80;
	[smem:$0x7F7] =	sst s4  }
0x18: {  	s19 =	simm.s32 $0x14080;
	s20 =	simm.s32 $0x14880;
	[dreg:$0x11] =	wrdreg s5  }
0x19: {  	s21 =	simm.s32 $0x15080;
	s22 =	simm.s32 $0x15880;
	[dreg:$0x1e] =	wrdreg s19  }
0x1a: {  	s23 =	simm.s32 $0x16080;
	s24 =	simm.s32 $0x16880;
	[dreg:$0x1f] =	wrdreg s20  }
0x1b: {  	s25 =	simm.s32 $0x17080;
	s26 =	simm.s32 $0x17880;
	[smem:$0x7F8] =	sst s21  }
0x1c: {  	s13 =	simm.s32 $0x880;
	s14 =	simm.s32 $0x1080;
	[smem:$0x7F9] =	sst s22  }
0x1d: {  	s15 =	simm.s32 $0x1880;
	s2 =	sadd.s32 $0x1200, s2;
	[smem:$0x7FA] =	sst s23  }
0x1e: {  	s16 =	sadd.s32 $0x1000, s4;
	s17 =	sadd.s32 $0x2000, s4;
	[smem:$0x7FB] =	sst s24  }
0x1f: {  	s18 =	sadd.s32 $0x3000, s4;
	s4 =	simm.s32 $0xC880;
	[smem:$0x7FC] =	sst s25  }
0x20: {  	s0 =	ssub.s32 s0, s6;
	s5 =	sadd.s32 $0x100, s1;
	[smem:$0x7FD] =	sst s26  }
0x21: {  	s6 =	sadd.s32 $0x200, s1;
	s19 =	simm.s32 $0x3880;
	[dreg:$0x4] =	wrdreg s2  }
0x22: {  	s20 =	simm.s32 $0x4080;
	s21 =	simm.s32 $0x4880;
	[dreg:$0x5] =	wrdreg s16  }
0x23: {  	s22 =	simm.s32 $0x5080;
	s23 =	simm.s32 $0x5880;
	[dreg:$0x6] =	wrdreg s17  }
0x24: {  	s24 =	simm.s32 $0x6080;
	s25 =	simm.s32 $0x6880;
	[dreg:$0x7] =	wrdreg s18  }
0x25: {  	s26 =	simm.s32 $0x7080;
	[dreg:$0x10] =	wrdreg s4;
	s16 =	simm.s32 $0x12880  }
0x26: {  	s8 =	smax.u32 s0, $0x1;
	s17 =	simm.s32 $0x13080;
	[dreg:$0x1b] =	wrdreg s16  }
0x27: {  	v2 =	vlaneseq.u32;
	s18 =	simm.s32 $0x13880;
	s2 =	simm.s32 $0x3;
	[dreg:$0x1c] =	wrdreg s17  }
0x28: {  	vm0 =	vmmov $0xffff;
	v1 =	vshrl.u32 v2, $0x3;
	s0 =	simm.s32 $0x5;
	s4 =	simm.s32 $0x6;
	[dreg:$0x1d] =	wrdreg s18  }
0x29: {  	v0 =	vand.u32 $0x7, v2;
	v2 =	vor.u32 $0x8, v2;
	v1 =	vmul.u32 $0x8, v1;
	s16 =	simm.s32 $0x2080;
	s17 =	simm.s32 $0x2880;
	s18 =	simm.s32 $0x3080  }
.LBB2_1:
0x2a: {  	s11 =	rddreg [dreg:$0x4];
	s9 =	simm.s32 $0x7  }
0x2b: {  	[tilespmem:s3], [sflag:$0x7] =	stream.linear.gather [hbm4b:s11+s3], $0x80, $0x38;
	[tilespmem:$0x18080] =	vst v63  }
0x2c: {  	_ =	swait.ge [sflag:s9], $0x80  }
0x2d: {  	[sflag:s9] =	ssyncset.done $0x0  }
0x2e: {  	[sflag:s9] =	ssyncadd.s32 $0xFFFFFF80  }
0x2f: {  	v3 =	vld [tilespmem:$0x0];
	_ =	sdelay $0x4  }
0x30: {  	v4 =	vshll.u32 v3, $0x3  }
0x31: {  	v3 =	vand.u32 $0x7, v3;
	v4 =	vand.u32 $0xFFFFFFC0, v4  }
0x32: {  	v3 =	vor.u32 v3, v4  }
0x33: {  	v4 =	vperm.xlane v3, v0;
	_ =	sdelay $0x1  }
0x34: {  	v4 =	vadd.s32 v1, v4;
	_ =	sdelay $0x4  }
0x35: {  	[tilespmem:s10], [sflag:$0x1] =	stream.indirect_vreg.gather [hbm4b:s1+s3], $0x80, v4, vm0, $0xb8;
	[tilespmem:$0x18080] =	vst v63  }
0x36: {  	v3 =	vperm.xlane v3, v2  }
0x37: {  	[tilespmem:s13], [sflag:$0x1] =	stream.indirect_vreg.gather [hbm4b:s5+s3], $0x80, v4, vm0, $0xb8;
	[tilespmem:$0x18080] =	vst v63  }
0x38: {  	v3 =	vadd.s32 v1, v3  }
0x39: {  	[tilespmem:s14], [sflag:$0x1] =	stream.indirect_vreg.gather [hbm4b:s6+s3], $0x80, v4, vm0, $0xb8;
	[tilespmem:$0x18080] =	vst v63  }
0x3a: {  	_ = 	snop  }
0x3b: {  	[tilespmem:s15], [sflag:$0x1] =	stream.indirect_vreg.gather [hbm4b:s7+s3], $0x80, v4, vm0, $0xb8;
	[tilespmem:$0x18080] =	vst v63  }
0x3c: {  	_ = 	snop  }
0x3d: {  	[tilespmem:s16], [sflag:$0x1] =	stream.indirect_vreg.gather [hbm4b:s1+s3], $0x80, v3, vm0, $0xb8;
	[tilespmem:$0x18080] =	vst v63  }
0x3e: {  	_ = 	snop  }
0x3f: {  	[tilespmem:s17], [sflag:$0x1] =	stream.indirect_vreg.gather [hbm4b:s5+s3], $0x80, v3, vm0, $0xb8;
	[tilespmem:$0x18080] =	vst v63  }
0x40: {  	_ = 	snop  }
0x41: {  	[tilespmem:s18], [sflag:$0x1] =	stream.indirect_vreg.gather [hbm4b:s6+s3], $0x80, v3, vm0, $0xb8;
	[tilespmem:$0x18080] =	vst v63  }
0x42: {  	_ = 	snop  }
0x43: {  	[tilespmem:s19], [sflag:$0x1] =	stream.indirect_vreg.gather [hbm4b:s7+s3], $0x80, v3, vm0, $0xb8;
	[tilespmem:$0x18080] =	vst v63  }
0x44: {  	v3 =	vld [tilespmem:$0x10];
	_ =	sdelay $0x4  }
0x45: {  	v57 =	vshll.u32 v3, $0x3  }
0x46: {  	v3 =	vand.u32 $0x7, v3;
	v4 =	vand.u32 $0xFFFFFFC0, v57  }
0x47: {  	v3 =	vor.u32 v3, v4  }
0x48: {  	v4 =	vperm.xlane v3, v0;
	_ =	sdelay $0x1  }
0x49: {  	v4 =	vadd.s32 v1, v4;
	_ =	sdelay $0x4  }
0x4a: {  	[tilespmem:s20], [sflag:$0x1] =	stream.indirect_vreg.gather [hbm4b:s1+s3], $0x80, v4, vm0, $0xb8;
	[tilespmem:$0x18080] =	vst v63  }
0x4b: {  	v3 =	vperm.xlane v3, v2  }
0x4c: {  	[tilespmem:s21], [sflag:$0x1] =	stream.indirect_vreg.gather [hbm4b:s5+s3], $0x80, v4, vm0, $0xb8;
	[tilespmem:$0x18080] =	vst v63  }
0x4d: {  	v3 =	vadd.s32 v1, v3  }
0x4e: {  	[tilespmem:s22], [sflag:$0x1] =	stream.indirect_vreg.gather [hbm4b:s6+s3], $0x80, v4, vm0, $0xb8;
	[tilespmem:$0x18080] =	vst v63  }
0x4f: {  	_ = 	snop  }
0x50: {  	[tilespmem:s23], [sflag:$0x1] =	stream.indirect_vreg.gather [hbm4b:s7+s3], $0x80, v4, vm0, $0xb8;
	[tilespmem:$0x18080] =	vst v63  }
0x51: {  	_ = 	snop  }
0x52: {  	[tilespmem:s24], [sflag:$0x1] =	stream.indirect_vreg.gather [hbm4b:s1+s3], $0x80, v3, vm0, $0xb8;
	[tilespmem:$0x18080] =	vst v63  }
0x53: {  	_ = 	snop  }
0x54: {  	[tilespmem:s25], [sflag:$0x1] =	stream.indirect_vreg.gather [hbm4b:s5+s3], $0x80, v3, vm0, $0xb8;
	[tilespmem:$0x18080] =	vst v63  }
0x55: {  	_ = 	snop  }
0x56: {  	[tilespmem:s26], [sflag:$0x1] =	stream.indirect_vreg.gather [hbm4b:s6+s3], $0x80, v3, vm0, $0xb8;
	[tilespmem:$0x18080] =	vst v63  }
0x57: {  	_ = 	snop  }
0x58: {  	[tilespmem:s28], [sflag:$0x1] =	stream.indirect_vreg.gather [hbm4b:s7+s3], $0x80, v3, vm0, $0xb8;
	[tilespmem:$0x18080] =	vst v63  }
0x59: {  	v3 =	vld [tilespmem:$0x20];
	_ =	sdelay $0x4  }
0x5a: {  	v58 =	vshll.u32 v3, $0x3  }
0x5b: {  	v3 =	vand.u32 $0x7, v3;
	v4 =	vand.u32 $0xFFFFFFC0, v58  }
0x5c: {  	v3 =	vor.u32 v3, v4  }
0x5d: {  	v4 =	vperm.xlane v3, v0;
	_ =	sdelay $0x1  }
0x5e: {  	v4 =	vadd.s32 v1, v4;
	_ =	sdelay $0x3  }
0x5f: {  	s9 =	simm.s32 $0x8080  }
0x60: {  	[tilespmem:s9], [sflag:$0x2] =	stream.indirect_vreg.gather [hbm4b:s1+s3], $0x80, v4, vm0, $0xb8;
	[tilespmem:$0x18080] =	vst v63  }
0x61: {  	s11 =	rddreg [dreg:$0x8];
	v3 =	vperm.xlane v3, v2  }
0x62: {  	[tilespmem:s11], [sflag:$0x2] =	stream.indirect_vreg.gather [hbm4b:s5+s3], $0x80, v4, vm0, $0xb8;
	[tilespmem:$0x18080] =	vst v63  }
0x63: {  	s12 =	rddreg [dreg:$0x9];
	v3 =	vadd.s32 v1, v3  }
0x64: {  	[tilespmem:s12], [sflag:$0x2] =	stream.indirect_vreg.gather [hbm4b:s6+s3], $0x80, v4, vm0, $0xb8;
	[tilespmem:$0x18080] =	vst v63  }
0x65: {  	s11 =	rddreg [dreg:$0xa]  }
0x66: {  	[tilespmem:s11], [sflag:$0x2] =	stream.indirect_vreg.gather [hbm4b:s7+s3], $0x80, v4, vm0, $0xb8;
	[tilespmem:$0x18080] =	vst v63  }
0x67: {  	s12 =	rddreg [dreg:$0xb]  }
0x68: {  	[tilespmem:s12], [sflag:$0x2] =	stream.indirect_vreg.gather [hbm4b:s1+s3], $0x80, v3, vm0, $0xb8;
	[tilespmem:$0x18080] =	vst v63  }
0x69: {  	s11 =	rddreg [dreg:$0xc]  }
0x6a: {  	[tilespmem:s11], [sflag:$0x2] =	stream.indirect_vreg.gather [hbm4b:s5+s3], $0x80, v3, vm0, $0xb8;
	[tilespmem:$0x18080] =	vst v63  }
0x6b: {  	s12 =	rddreg [dreg:$0xd]  }
0x6c: {  	[tilespmem:s12], [sflag:$0x2] =	stream.indirect_vreg.gather [hbm4b:s6+s3], $0x80, v3, vm0, $0xb8;
	[tilespmem:$0x18080] =	vst v63  }
0x6d: {  	s11 =	rddreg [dreg:$0xe]  }
0x6e: {  	[tilespmem:s11], [sflag:$0x2] =	stream.indirect_vreg.gather [hbm4b:s7+s3], $0x80, v3, vm0, $0xb8;
	[tilespmem:$0x18080] =	vst v63  }
0x6f: {  	v3 =	vld [tilespmem:$0x30];
	_ =	sdelay $0x4  }
0x70: {  	v59 =	vshll.u32 v3, $0x3  }
0x71: {  	v3 =	vand.u32 $0x7, v3;
	v4 =	vand.u32 $0xFFFFFFC0, v59  }
0x72: {  	v3 =	vor.u32 v3, v4  }
0x73: {  	v4 =	vperm.xlane v3, v0;
	_ =	sdelay $0x1  }
0x74: {  	v4 =	vadd.s32 v1, v4;
	_ =	sdelay $0x3  }
0x75: {  	s11 =	rddreg [dreg:$0xf]  }
0x76: {  	[tilespmem:s11], [sflag:$0x2] =	stream.indirect_vreg.gather [hbm4b:s1+s3], $0x80, v4, vm0, $0xb8;
	[tilespmem:$0x18080] =	vst v63  }
0x77: {  	s12 =	rddreg [dreg:$0x10];
	v3 =	vperm.xlane v3, v2  }
0x78: {  	[tilespmem:s12], [sflag:$0x2] =	stream.indirect_vreg.gather [hbm4b:s5+s3], $0x80, v4, vm0, $0xb8;
	[tilespmem:$0x18080] =	vst v63  }
0x79: {  	v3 =	vadd.s32 v1, v3;
	s11 =	rddreg [dreg:$0x11]  }
0x7a: {  	[tilespmem:s11], [sflag:$0x2] =	stream.indirect_vreg.gather [hbm4b:s6+s3], $0x80, v4, vm0, $0xb8;
	[tilespmem:$0x18080] =	vst v63  }
0x7b: {  	s12 =	rddreg [dreg:$0x12]  }
0x7c: {  	[tilespmem:s12], [sflag:$0x2] =	stream.indirect_vreg.gather [hbm4b:s7+s3], $0x80, v4, vm0, $0xb8;
	[tilespmem:$0x18080] =	vst v63  }
0x7d: {  	s11 =	rddreg [dreg:$0x13]  }
0x7e: {  	[tilespmem:s11], [sflag:$0x2] =	stream.indirect_vreg.gather [hbm4b:s1+s3], $0x80, v3, vm0, $0xb8;
	[tilespmem:$0x18080] =	vst v63  }
0x7f: {  	s12 =	rddreg [dreg:$0x14]  }
0x80: {  	[tilespmem:s12], [sflag:$0x2] =	stream.indirect_vreg.gather [hbm4b:s5+s3], $0x80, v3, vm0, $0xb8;
	[tilespmem:$0x18080] =	vst v63  }
0x81: {  	s11 =	rddreg [dreg:$0x15]  }
0x82: {  	[tilespmem:s11], [sflag:$0x2] =	stream.indirect_vreg.gather [hbm4b:s6+s3], $0x80, v3, vm0, $0xb8;
	[tilespmem:$0x18080] =	vst v63  }
0x83: {  	s12 =	rddreg [dreg:$0x16]  }
0x84: {  	[tilespmem:s12], [sflag:$0x2] =	stream.indirect_vreg.gather [hbm4b:s7+s3], $0x80, v3, vm0, $0xb8;
	[tilespmem:$0x18080] =	vst v63  }
0x85: {  	v3 =	vld [tilespmem:$0x40];
	_ =	sdelay $0x4  }
0x86: {  	v60 =	vshll.u32 v3, $0x3  }
0x87: {  	v3 =	vand.u32 $0x7, v3;
	v4 =	vand.u32 $0xFFFFFFC0, v60  }
0x88: {  	v3 =	vor.u32 v3, v4  }
0x89: {  	v4 =	vperm.xlane v3, v0;
	_ =	sdelay $0x1  }
0x8a: {  	v4 =	vadd.s32 v1, v4;
	_ =	sdelay $0x4  }
0x8b: {  	[tilespmem:s31], [sflag:$0x3] =	stream.indirect_vreg.gather [hbm4b:s1+s3], $0x80, v4, vm0, $0xb8;
	[tilespmem:$0x18080] =	vst v63  }
0x8c: {  	s11 =	rddreg [dreg:$0x17];
	v3 =	vperm.xlane v3, v2  }
0x8d: {  	[tilespmem:s11], [sflag:$0x3] =	stream.indirect_vreg.gather [hbm4b:s5+s3], $0x80, v4, vm0, $0xb8;
	[tilespmem:$0x18080] =	vst v63  }
0x8e: {  	s12 =	rddreg [dreg:$0x18];
	v3 =	vadd.s32 v1, v3  }
0x8f: {  	[tilespmem:s12], [sflag:$0x3] =	stream.indirect_vreg.gather [hbm4b:s6+s3], $0x80, v4, vm0, $0xb8;
	[tilespmem:$0x18080] =	vst v63  }
0x90: {  	s11 =	rddreg [dreg:$0x19]  }
0x91: {  	[tilespmem:s11], [sflag:$0x3] =	stream.indirect_vreg.gather [hbm4b:s7+s3], $0x80, v4, vm0, $0xb8;
	[tilespmem:$0x18080] =	vst v63  }
0x92: {  	s12 =	rddreg [dreg:$0x1a]  }
0x93: {  	[tilespmem:s12], [sflag:$0x3] =	stream.indirect_vreg.gather [hbm4b:s1+s3], $0x80, v3, vm0, $0xb8;
	[tilespmem:$0x18080] =	vst v63  }
0x94: {  	s11 =	rddreg [dreg:$0x1b]  }
0x95: {  	[tilespmem:s11], [sflag:$0x3] =	stream.indirect_vreg.gather [hbm4b:s5+s3], $0x80, v3, vm0, $0xb8;
	[tilespmem:$0x18080] =	vst v63  }
0x96: {  	s12 =	rddreg [dreg:$0x1c]  }
0x97: {  	[tilespmem:s12], [sflag:$0x3] =	stream.indirect_vreg.gather [hbm4b:s6+s3], $0x80, v3, vm0, $0xb8;
	[tilespmem:$0x18080] =	vst v63  }
0x98: {  	s11 =	rddreg [dreg:$0x1d]  }
0x99: {  	[tilespmem:s11], [sflag:$0x3] =	stream.indirect_vreg.gather [hbm4b:s7+s3], $0x80, v3, vm0, $0xb8;
	[tilespmem:$0x18080] =	vst v63  }
0x9a: {  	v3 =	vld [tilespmem:$0x50];
	_ =	sdelay $0x4  }
0x9b: {  	v61 =	vshll.u32 v3, $0x3  }
0x9c: {  	v3 =	vand.u32 $0x7, v3;
	v4 =	vand.u32 $0xFFFFFFC0, v61  }
0x9d: {  	v3 =	vor.u32 v3, v4  }
0x9e: {  	v4 =	vperm.xlane v3, v0;
	_ =	sdelay $0x1  }
0x9f: {  	v4 =	vadd.s32 v1, v4;
	_ =	sdelay $0x2  }
0xa0: {  	s12 =	rddreg [dreg:$0x1f]  }
0xa1: {  	s11 =	rddreg [dreg:$0x1e]  }
0xa2: {  	[tilespmem:s11], [sflag:$0x3] =	stream.indirect_vreg.gather [hbm4b:s1+s3], $0x80, v4, vm0, $0xb8;
	[tilespmem:$0x18080] =	vst v63  }
0xa3: {  	v3 =	vperm.xlane v3, v2;
	s11 =	sld [smem:$0x7F8]  }
0xa4: {  	[tilespmem:s12], [sflag:$0x3] =	stream.indirect_vreg.gather [hbm4b:s5+s3], $0x80, v4, vm0, $0xb8;
	[tilespmem:$0x18080] =	vst v63  }
0xa5: {  	v3 =	vadd.s32 v1, v3;
	s12 =	sld [smem:$0x7F9]  }
0xa6: {  	[tilespmem:s11], [sflag:$0x3] =	stream.indirect_vreg.gather [hbm4b:s6+s3], $0x80, v4, vm0, $0xb8;
	[tilespmem:$0x18080] =	vst v63  }
0xa7: {  	s11 =	sld [smem:$0x7FA]  }
0xa8: {  	[tilespmem:s12], [sflag:$0x3] =	stream.indirect_vreg.gather [hbm4b:s7+s3], $0x80, v4, vm0, $0xb8;
	[tilespmem:$0x18080] =	vst v63  }
0xa9: {  	s12 =	sld [smem:$0x7FB]  }
0xaa: {  	[tilespmem:s11], [sflag:$0x3] =	stream.indirect_vreg.gather [hbm4b:s1+s3], $0x80, v3, vm0, $0xb8;
	[tilespmem:$0x18080] =	vst v63  }
0xab: {  	s11 =	sld [smem:$0x7FC]  }
0xac: {  	[tilespmem:s12], [sflag:$0x3] =	stream.indirect_vreg.gather [hbm4b:s5+s3], $0x80, v3, vm0, $0xb8;
	[tilespmem:$0x18080] =	vst v63  }
0xad: {  	s12 =	sld [smem:$0x7FD]  }
0xae: {  	[tilespmem:s11], [sflag:$0x3] =	stream.indirect_vreg.gather [hbm4b:s6+s3], $0x80, v3, vm0, $0xb8;
	[tilespmem:$0x18080] =	vst v63  }
0xaf: {  	_ = 	snop  }
0xb0: {  	[tilespmem:s12], [sflag:$0x3] =	stream.indirect_vreg.gather [hbm4b:s7+s3], $0x80, v3, vm0, $0xb8;
	[tilespmem:$0x18080] =	vst v63  }
0xb1: {  	_ =	swait.ge [sflag:s29], $0x8000  }
0xb2: {  	s12 =	sld [smem:$0x7F7]  }
0xb3: {  	[sflag:s29] =	ssyncset.done $0x0  }
0xb4: {  	[sflag:s29] =	ssyncadd.s32 $0xFFFF8000  }
0xb5: {  	[hbm4b:s12+s3] =	stream.linear.scatter [tilespmem:s10], [sflag:$0x4], $0x8000, $0x38;
	[tilespmem:$0x18080] =	vst v63  }
0xb6: {  	_ =	swait.ge [sflag:s30], $0x8000  }
0xb7: {  	[sflag:s30] =	ssyncset.done $0x0  }
0xb8: {  	[sflag:s30] =	ssyncadd.s32 $0xFFFF8000  }
0xb9: {  	v3 =	vld [tilespmem:$0x60];
	_ =	sdelay $0x4  }
0xba: {  	v62 =	vshll.u32 v3, $0x3  }
0xbb: {  	v3 =	vand.u32 $0x7, v3;
	v4 =	vand.u32 $0xFFFFFFC0, v62  }
0xbc: {  	v3 =	vor.u32 v3, v4  }
0xbd: {  	v4 =	vperm.xlane v3, v0;
	_ =	sdelay $0x1  }
0xbe: {  	v4 =	vadd.s32 v1, v4;
	_ =	sdelay $0x4  }
0xbf: {  	[tilespmem:s10], [sflag:$0x1] =	stream.indirect_vreg.gather [hbm4b:s1+s3], $0x80, v4, vm0, $0xb8;
	[tilespmem:$0x18080] =	vst v63  }
0xc0: {  	v3 =	vperm.xlane v3, v2  }
0xc1: {  	[tilespmem:s13], [sflag:$0x1] =	stream.indirect_vreg.gather [hbm4b:s5+s3], $0x80, v4, vm0, $0xb8;
	[tilespmem:$0x18080] =	vst v63  }
0xc2: {  	v3 =	vadd.s32 v1, v3  }
0xc3: {  	[tilespmem:s14], [sflag:$0x1] =	stream.indirect_vreg.gather [hbm4b:s6+s3], $0x80, v4, vm0, $0xb8;
	[tilespmem:$0x18080] =	vst v63  }
0xc4: {  	_ = 	snop  }
0xc5: {  	[tilespmem:s15], [sflag:$0x1] =	stream.indirect_vreg.gather [hbm4b:s7+s3], $0x80, v4, vm0, $0xb8;
	[tilespmem:$0x18080] =	vst v63  }
0xc6: {  	_ = 	snop  }
0xc7: {  	[tilespmem:s16], [sflag:$0x1] =	stream.indirect_vreg.gather [hbm4b:s1+s3], $0x80, v3, vm0, $0xb8;
	[tilespmem:$0x18080] =	vst v63  }
0xc8: {  	_ = 	snop  }
0xc9: {  	[tilespmem:s17], [sflag:$0x1] =	stream.indirect_vreg.gather [hbm4b:s5+s3], $0x80, v3, vm0, $0xb8;
	[tilespmem:$0x18080] =	vst v63  }
0xca: {  	_ = 	snop  }
0xcb: {  	[tilespmem:s18], [sflag:$0x1] =	stream.indirect_vreg.gather [hbm4b:s6+s3], $0x80, v3, vm0, $0xb8;
	[tilespmem:$0x18080] =	vst v63  }
0xcc: {  	_ = 	snop  }
0xcd: {  	[tilespmem:s19], [sflag:$0x1] =	stream.indirect_vreg.gather [hbm4b:s7+s3], $0x80, v3, vm0, $0xb8;
	[tilespmem:$0x18080] =	vst v63  }
0xce: {  	v3 =	vld [tilespmem:$0x70];
	_ =	sdelay $0x4  }
0xcf: {  	v63 =	vshll.u32 v3, $0x3  }
0xd0: {  	v3 =	vand.u32 $0x7, v3;
	v4 =	vand.u32 $0xFFFFFFC0, v63  }
0xd1: {  	v3 =	vor.u32 v3, v4  }
0xd2: {  	v4 =	vperm.xlane v3, v0;
	_ =	sdelay $0x1  }
0xd3: {  	v4 =	vadd.s32 v1, v4;
	_ =	sdelay $0x4  }
0xd4: {  	[tilespmem:s20], [sflag:$0x1] =	stream.indirect_vreg.gather [hbm4b:s1+s3], $0x80, v4, vm0, $0xb8;
	[tilespmem:$0x18080] =	vst v63  }
0xd5: {  	v3 =	vperm.xlane v3, v2  }
0xd6: {  	[tilespmem:s21], [sflag:$0x1] =	stream.indirect_vreg.gather [hbm4b:s5+s3], $0x80, v4, vm0, $0xb8;
	[tilespmem:$0x18080] =	vst v63  }
0xd7: {  	v3 =	vadd.s32 v1, v3  }
0xd8: {  	[tilespmem:s22], [sflag:$0x1] =	stream.indirect_vreg.gather [hbm4b:s6+s3], $0x80, v4, vm0, $0xb8;
	[tilespmem:$0x18080] =	vst v63  }
0xd9: {  	_ = 	snop  }
0xda: {  	[tilespmem:s23], [sflag:$0x1] =	stream.indirect_vreg.gather [hbm4b:s7+s3], $0x80, v4, vm0, $0xb8;
	[tilespmem:$0x18080] =	vst v63  }
0xdb: {  	_ = 	snop  }
0xdc: {  	[tilespmem:s24], [sflag:$0x1] =	stream.indirect_vreg.gather [hbm4b:s1+s3], $0x80, v3, vm0, $0xb8;
	[tilespmem:$0x18080] =	vst v63  }
0xdd: {  	_ = 	snop  }
0xde: {  	[tilespmem:s25], [sflag:$0x1] =	stream.indirect_vreg.gather [hbm4b:s5+s3], $0x80, v3, vm0, $0xb8;
	[tilespmem:$0x18080] =	vst v63  }
0xdf: {  	_ = 	snop  }
0xe0: {  	[tilespmem:s26], [sflag:$0x1] =	stream.indirect_vreg.gather [hbm4b:s6+s3], $0x80, v3, vm0, $0xb8;
	[tilespmem:$0x18080] =	vst v63  }
0xe1: {  	s12 =	simm.s32 $0x2  }
0xe2: {  	[tilespmem:s28], [sflag:$0x1] =	stream.indirect_vreg.gather [hbm4b:s7+s3], $0x80, v3, vm0, $0xb8;
	[tilespmem:$0x18080] =	vst v63  }
0xe3: {  	_ =	swait.ge [sflag:s12], $0x8000  }
0xe4: {  	[sflag:s12] =	ssyncset.done $0x0  }
0xe5: {  	s11 =	rddreg [dreg:$0x5];
	[sflag:s12] =	ssyncadd.s32 $0xFFFF8000  }
0xe6: {  	[hbm4b:s11+s3] =	stream.linear.scatter [tilespmem:s9], [sflag:$0x5], $0x8000, $0x38;
	[tilespmem:$0x18080] =	vst v63  }
0xe7: {  	_ =	swait.ge [sflag:s2], $0x8000  }
0xe8: {  	[sflag:s2] =	ssyncset.done $0x0  }
0xe9: {  	s9 =	rddreg [dreg:$0x6];
	[sflag:s2] =	ssyncadd.s32 $0xFFFF8000  }
0xea: {  	[hbm4b:s9+s3] =	stream.linear.scatter [tilespmem:s31], [sflag:$0x6], $0x8000, $0x38;
	[tilespmem:$0x18080] =	vst v63  }
0xeb: {  	_ =	swait.ge [sflag:s29], $0x8000  }
0xec: {  	[sflag:s29] =	ssyncset.done $0x0  }
0xed: {  	s12 =	rddreg [dreg:$0x7];
	[sflag:s29] =	ssyncadd.s32 $0xFFFF8000  }
0xee: {  	[hbm4b:s12+s3] =	stream.linear.scatter [tilespmem:s10], [sflag:$0x4], $0x8000, $0x38;
	[tilespmem:$0x18080] =	vst v63  }
0xef: {  	_ =	swait.ge [sflag:s30], $0x8000  }
0xf0: {  	[sflag:s30] =	ssyncset.done $0x0  }
0xf1: {  	[sflag:s30] =	ssyncadd.s32 $0xFFFF8000  }
0xf2: {  	p0 =	sne.s32 s8, $0x1;
	_ =	swait.ge [sflag:s0], $0x8000  }
.Ltmp0:
0xf3: {  	[sflag:s0] =	ssyncset.done $0x0;
	(pc) =	sbr.rel @p0 .LBB2_1-.Ltmp0, $4  }
0xf4: {  	[sflag:s0] =	ssyncadd.s32 $0xFFFF8000  }
0xf5: {  	_ =	swait.ge [sflag:s4], $0x8000  }
0xf6: {  	[sflag:s4] =	ssyncset.done $0x0  }
0xf7: {  	s8 =	sadd.s32 $0xFFFFFFFF, s8;
	[sflag:s4] =	ssyncadd.s32 $0xFFFF8000  }
0xf8: {  	_ =	sfence.sel $0x180000  }
0xf9: {  	[bflag:$0x0] =	sbarrier.arrive $0xFFFF  }
0xfa: {  	_ =	strace $0x90000047  }
0xfb: {  	s0 =	stileid.u32;
	[bflag:$0x2] =	sbarrier.arrive $0xFFFF  }
0xfc: {  	p0 =	sne.s32 s0, $0x0;
	s0 =	rddreg [dreg:$0x3]  }
0xfd: {  	s0 =	sadd.s32 @!p0 $0x100000, s0  }
0xfe: {  	[sflag:s0] =	ssyncadd.tile.s32 @!p0 $0x1;
	_ =	shalt  }
.Lfunc_end2:
_tile_overlayer_lowered:
.L_overlay_start_2:
0xff: {  	(tag) =	ssettag $0x2  }
0x100: {  	s0 =	rddreg [dreg:$0x0];
	s2 =	stileid.u32  }
0x101: {  	s1 =	rddreg [dreg:$0x1];
	p0 =	sne.s32 s2, $0x0  }
0x102: {  	s3 =	rddreg [dreg:$0x2];
	[bflag:$0x3] =	sbarrier.arrive $0xFFFF;
	s2 =	simm.s32 @!p0 $0x1C07  }
0x103: {  	[timem:s3], [sflag:s2] =	dma.local @!p0 [hbm:s0], s1  }
0x104: {  	s0 =	simm.s32 @!p0 $0x7  }
0x105: {  	_ =	swait.ge @!p0 [sflag:s0], s1  }
0x106: {  	s1 =	ssub.s32 @!p0 $0x0, s1;
	[sflag:s0] =	ssyncset.done @!p0 $0x0  }
0x107: {  	[sflag:s0] =	ssyncadd.s32 @!p0 s1  }
0x108: {  	[bflag:$0x3] =	sbarrier.arrive $0xFFFF  }
0x109: {  	_ =	shalt  }

</sc_bundles>
